<compile_context>
chip_gen: v7x
topology: tpu7x:2x2x1
jax: 0.10.2.dev20260603
libtpu: 0.0.44.dev20260713+nightly
codegen_flags: <defaults>
</compile_context>

<pallas_src>
import functools

import jax
import jax.numpy as jnp
from jax import lax
from jax.experimental import pallas as pl
from jax.experimental.pallas import tpu as pltpu
from jax.experimental.pallas import tpu_sc as plsc

B, N, F = 16, 4096, 64
L = 16
C = N // L
NB = 256
PASSES = (0, 8, 16, 24)


def _keys_body(px_ref, py_ref, pz_ref, out_ref):
    x = px_ref[...]
    y = py_ref[...]
    z = pz_ref[...]
    m = jnp.sqrt(x * x + y * y + z * z)
    bits = lax.bitcast_convert_type(m, jnp.int32)
    out_ref[...] = bits ^ jnp.int32(-1)


def _compute_keys(px, py, pz):
    return pl.pallas_call(
        _keys_body,
        out_shape=jax.ShapeDtypeStruct((B, N), jnp.int32),
    )(px, py, pz)


def _sc_body(keys_hbm, data_hbm, out_hbm,
             knat, ka, va, kb, vb, hist, d0, d1, o0, o1):
    c = lax.axis_index("c")
    s = lax.axis_index("s")
    row = s
    a0 = 2 * c
    a1 = 2 * c + 1
    iota = lax.iota(jnp.int32, L)
    ones = jnp.full((L,), 1, jnp.int32)
    zeros = jnp.full((L,), 0, jnp.int32)

    pltpu.sync_copy(keys_hbm.at[row], knat)
    pltpu.sync_copy(data_hbm.at[a0, row], d0)
    pltpu.sync_copy(data_hbm.at[a1, row], d1)

    def vrow(t):
        return pl.ds(pl.multiple_of(t * L, L), L)

    def fill(t, _):
        k = knat[vrow(t)]
        e = t * L + iota
        phys = ((e & (C - 1)) << 4) + lax.shift_right_logical(e, 8)
        plsc.store_scatter(ka, [phys], k)
        plsc.store_scatter(va, [phys], e)
        return _

    lax.fori_loop(0, C, fill, 0, unroll=2)

    bufs = [(ka, va, kb, vb), (kb, vb, ka, va)]
    for p, sh in enumerate(PASSES):
        kin, vin, kout, vout = bufs[p % 2]

        def zero(t, _):
            hist[vrow(t)] = zeros
            return _

        lax.fori_loop(0, NB, zero, 0, unroll=4)

        def count(t, _, kin=kin, sh=sh):
            k = kin[vrow(t)]
            d = lax.shift_right_logical(k, sh) & (NB - 1)
            plsc.addupdate_scatter(hist, [(d << 4) + iota], ones)
            return _

        lax.fori_loop(0, C, count, 0, unroll=2)

        def bucket_offsets(d, carry):
            rowv = hist[vrow(d)]
            cs = plsc.cumsum(rowv)
            hist[vrow(d)] = carry + cs - rowv
            return carry + jnp.sum(rowv)

        lax.fori_loop(0, NB, bucket_offsets, jnp.int32(0), unroll=2)

        def permute(t, _, kin=kin, vin=vin, kout=kout, vout=vout, sh=sh):
            k = kin[vrow(t)]
            v = vin[vrow(t)]
            d = lax.shift_right_logical(k, sh) & (NB - 1)
            a = (d << 4) + iota
            cur = plsc.load_gather(hist, [a])
            plsc.store_scatter(hist, [a], cur + ones)
            phys = ((cur & (C - 1)) << 4) + lax.shift_right_logical(cur, 8)
            plsc.store_scatter(kout, [phys], k)
            plsc.store_scatter(vout, [phys], v)
            return _

        lax.fori_loop(0, C, permute, 0, unroll=2)

    def out_gather(t, _):
        pp = t * L + iota
        phys = ((pp & (C - 1)) << 4) + lax.shift_right_logical(pp, 8)
        idxv = plsc.load_gather(va, [phys])
        o0[vrow(t)] = plsc.load_gather(d0, [idxv])
        o1[vrow(t)] = plsc.load_gather(d1, [idxv])
        return _

    lax.fori_loop(0, C, out_gather, 0, unroll=2)

    pltpu.sync_copy(o0, out_hbm.at[a0, row])
    pltpu.sync_copy(o1, out_hbm.at[a1, row])


def _sc_sort(keys, data):
    fn = pl.kernel(
        _sc_body,
        mesh=plsc.VectorSubcoreMesh(core_axis_name="c", subcore_axis_name="s"),
        out_type=[jax.ShapeDtypeStruct((4, B, N), jnp.float32)],
        compiler_params=pltpu.CompilerParams(needs_layout_passes=False),
        scratch_types=[
            pltpu.VMEM((N,), jnp.int32),
            pltpu.VMEM((N,), jnp.int32),
            pltpu.VMEM((N,), jnp.int32),
            pltpu.VMEM((N,), jnp.int32),
            pltpu.VMEM((N,), jnp.int32),
            pltpu.VMEM((N,), jnp.int32),
            pltpu.VMEM((N,), jnp.float32),
            pltpu.VMEM((N,), jnp.float32),
            pltpu.VMEM((N,), jnp.float32),
            pltpu.VMEM((N,), jnp.float32),
        ],
    )
    return fn(keys, data)


def kernel(dau_px, dau_py, dau_pz, dau_e, jet_features):
    keys = _compute_keys(dau_px, dau_py, dau_pz)
    data = jnp.stack([dau_px, dau_py, dau_pz, dau_e])
    (out,) = _sc_sort(keys, data)
    return out[0], out[1], out[2], out[3], jet_features

# --- scband reference (transcript-rebuilt; emitter-appended) ---
"""Pipeline reference for scband-permuter-10273561772098 (READ-ONLY COPY).

The authoritative reference and input builder live on the scoring server;
editing this copy changes nothing except your own understanding.
"""

import jax, jax.numpy as jnp
import numpy as np

B, N, F = 16, 4096, 64

def setup_inputs(seed: int = 0) -> dict:
    key = jax.random.key(seed)
    k1, k2, k3, k4, k5 = jax.random.split(key, 5)
    return {
        "dau_px": jax.random.normal(k1, (B, N), dtype=jnp.float32) * 10.0,
        "dau_py": jax.random.normal(k2, (B, N), dtype=jnp.float32) * 10.0,
        "dau_pz": jax.random.normal(k3, (B, N), dtype=jnp.float32) * 20.0,
        "dau_e": jax.random.uniform(k4, (B, N), dtype=jnp.float32, minval=0.0, maxval=50.0),
        "jet_features": jax.random.normal(k5, (B, F), dtype=jnp.float32),
    }

def reference(dau_px, dau_py, dau_pz, dau_e, jet_features):
    # permuter_type == 'max_momenta'
    p_mag = jnp.sqrt(dau_px ** 2 + dau_py ** 2 + dau_pz ** 2)
    indexing_tensor = jnp.argsort(-p_mag, axis=1)
    def g(v):
        return jnp.take_along_axis(v, indexing_tensor, axis=1)
    # keys starting with 'dau_' get permuted; others pass through unchanged
    return (g(dau_px), g(dau_py), g(dau_pz), g(dau_e), jet_features)

if __name__ == "__main__":
    import jax
    _d = setup_inputs()
    print(jax.jit(kernel)(*tuple(_d.values())))

</pallas_src>

<mosaic_0001>
#map = affine_map<(d0, d1) -> (0, 0)>
#map1 = affine_map<(d0, d1) -> (0, 0, 0)>
module attributes {stable_mosaic.version = 14 : i64} {
  func.func @_sc_body(%arg0: i32, %arg1: i32, %arg2: memref<16x4096xi32, #tpu.memory_space<hbm>>, %arg3: memref<4x16x4096xf32, #tpu.memory_space<hbm>>, %arg4: memref<4x16x4096xf32, #tpu.memory_space<hbm>>, %arg5: memref<4096xi32, #tpu.memory_space<vmem>>, %arg6: memref<4096xi32, #tpu.memory_space<vmem>>, %arg7: memref<4096xi32, #tpu.memory_space<vmem>>, %arg8: memref<4096xi32, #tpu.memory_space<vmem>>, %arg9: memref<4096xi32, #tpu.memory_space<vmem>>, %arg10: memref<4096xi32, #tpu.memory_space<vmem>>, %arg11: memref<4096xf32, #tpu.memory_space<vmem>>, %arg12: memref<4096xf32, #tpu.memory_space<vmem>>, %arg13: memref<4096xf32, #tpu.memory_space<vmem>>, %arg14: memref<4096xf32, #tpu.memory_space<vmem>>) attributes {dimension_semantics = [#tpu.dimension_semantics<core_parallel>, #tpu.dimension_semantics<subcore_parallel>], iteration_bounds = array<i64: 2, 16>, scalar_prefetch = 0 : i64, scratch_operands = 10 : i64, tpu.core_type = #tpu.core_type<sc_vector_subcore>, window_params = [{transform_indices = #map}, {transform_indices = #map1}, {transform_indices = #map1}]} {
    %mul3A = arith.constant 2 : i32
    %mul3A_0 = arith.muli %mul3A, %arg0 : i32
    %mul3A_1 = arith.constant 2 : i32
    %mul3A_2 = arith.muli %mul3A_1, %arg0 : i32
    %add3A = arith.constant 1 : i32
    %add3A_3 = arith.addi %mul3A_2, %add3A : i32
    %iota3A = tpu.iota {dimensions = array<i32: 0>} : vector<16xi32>
    %broadcast_in_dim3A = arith.constant 1 : i32
    %broadcast_in_dim3A_4 = vector.broadcast %broadcast_in_dim3A : i32 to vector<16xi32>
    %broadcast_in_dim3A_5 = arith.constant 0 : i32
    %broadcast_in_dim3A_6 = vector.broadcast %broadcast_in_dim3A_5 : i32 to vector<16xi32>
    "tpu.region"() ({
      %run_scoped3A = tpu.sem_alloc : memref<!tpu.dma_semaphore, #tpu.memory_space<semaphore_mem>>
      %dma_start3A = arith.constant 0 : i32
      %dma_start3A_118 = tpu.memref_slice %arg2[%arg1, %dma_start3A] : memref<16x4096xi32, #tpu.memory_space<hbm>> -> memref<1x4096xi32, #tpu.memory_space<hbm>>
      %dma_start3A_119 = tpu.memref_squeeze %dma_start3A_118 : memref<1x4096xi32, #tpu.memory_space<hbm>> -> memref<4096xi32, #tpu.memory_space<hbm>>
      %dma_start3A_120 = arith.constant 0 : i32
      %dma_start3A_121 = tpu.memref_slice %arg2[%arg1, %dma_start3A_120] : memref<16x4096xi32, #tpu.memory_space<hbm>> -> memref<1x4096xi32, #tpu.memory_space<hbm>>
      %dma_start3A_122 = tpu.memref_squeeze %dma_start3A_121 : memref<1x4096xi32, #tpu.memory_space<hbm>> -> memref<4096xi32, #tpu.memory_space<hbm>>
      tpu.enqueue_dma source(%dma_start3A_122 : memref<4096xi32, #tpu.memory_space<hbm>>) target(%arg5 : memref<4096xi32, #tpu.memory_space<vmem>>) target_semaphore(%run_scoped3A : memref<!tpu.dma_semaphore, #tpu.memory_space<semaphore_mem>>)
      %dma_wait3A = arith.constant 0 : i32
      %dma_wait3A_123 = tpu.memref_slice %arg2[%arg1, %dma_wait3A] : memref<16x4096xi32, #tpu.memory_space<hbm>> -> memref<1x4096xi32, #tpu.memory_space<hbm>>
      %dma_wait3A_124 = tpu.memref_squeeze %dma_wait3A_123 : memref<1x4096xi32, #tpu.memory_space<hbm>> -> memref<4096xi32, #tpu.memory_space<hbm>>
      %dma_wait3A_125 = arith.constant 0 : i32
      %dma_wait3A_126 = tpu.memref_slice %arg2[%arg1, %dma_wait3A_125] : memref<16x4096xi32, #tpu.memory_space<hbm>> -> memref<1x4096xi32, #tpu.memory_space<hbm>>
      %dma_wait3A_127 = tpu.memref_squeeze %dma_wait3A_126 : memref<1x4096xi32, #tpu.memory_space<hbm>> -> memref<4096xi32, #tpu.memory_space<hbm>>
      tpu.wait_dma2 semaphore(%run_scoped3A : memref<!tpu.dma_semaphore, #tpu.memory_space<semaphore_mem>>) src(%dma_wait3A_127 : memref<4096xi32, #tpu.memory_space<hbm>>) dst(%arg5 : memref<4096xi32, #tpu.memory_space<vmem>>)
      tpu.yield
    }) : () -> ()
    "tpu.region"() ({
      %run_scoped3A = tpu.sem_alloc : memref<!tpu.dma_semaphore, #tpu.memory_space<semaphore_mem>>
      %dma_start3A = arith.constant 0 : i32
      %dma_start3A_118 = tpu.memref_slice %arg3[%mul3A_0, %arg1, %dma_start3A] : memref<4x16x4096xf32, #tpu.memory_space<hbm>> -> memref<1x1x4096xf32, #tpu.memory_space<hbm>>
      %dma_start3A_119 = tpu.memref_squeeze %dma_start3A_118 : memref<1x1x4096xf32, #tpu.memory_space<hbm>> -> memref<4096xf32, #tpu.memory_space<hbm>>
      %dma_start3A_120 = arith.constant 0 : i32
      %dma_start3A_121 = tpu.memref_slice %arg3[%mul3A_0, %arg1, %dma_start3A_120] : memref<4x16x4096xf32, #tpu.memory_space<hbm>> -> memref<1x1x4096xf32, #tpu.memory_space<hbm>>
      %dma_start3A_122 = tpu.memref_squeeze %dma_start3A_121 : memref<1x1x4096xf32, #tpu.memory_space<hbm>> -> memref<4096xf32, #tpu.memory_space<hbm>>
      tpu.enqueue_dma source(%dma_start3A_122 : memref<4096xf32, #tpu.memory_space<hbm>>) target(%arg11 : memref<4096xf32, #tpu.memory_space<vmem>>) target_semaphore(%run_scoped3A : memref<!tpu.dma_semaphore, #tpu.memory_space<semaphore_mem>>)
      %dma_wait3A = arith.constant 0 : i32
      %dma_wait3A_123 = tpu.memref_slice %arg3[%mul3A_0, %arg1, %dma_wait3A] : memref<4x16x4096xf32, #tpu.memory_space<hbm>> -> memref<1x1x4096xf32, #tpu.memory_space<hbm>>
      %dma_wait3A_124 = tpu.memref_squeeze %dma_wait3A_123 : memref<1x1x4096xf32, #tpu.memory_space<hbm>> -> memref<4096xf32, #tpu.memory_space<hbm>>
      %dma_wait3A_125 = arith.constant 0 : i32
      %dma_wait3A_126 = tpu.memref_slice %arg3[%mul3A_0, %arg1, %dma_wait3A_125] : memref<4x16x4096xf32, #tpu.memory_space<hbm>> -> memref<1x1x4096xf32, #tpu.memory_space<hbm>>
      %dma_wait3A_127 = tpu.memref_squeeze %dma_wait3A_126 : memref<1x1x4096xf32, #tpu.memory_space<hbm>> -> memref<4096xf32, #tpu.memory_space<hbm>>
      tpu.wait_dma2 semaphore(%run_scoped3A : memref<!tpu.dma_semaphore, #tpu.memory_space<semaphore_mem>>) src(%dma_wait3A_127 : memref<4096xf32, #tpu.memory_space<hbm>>) dst(%arg11 : memref<4096xf32, #tpu.memory_space<vmem>>)
      tpu.yield
    }) : () -> ()
    "tpu.region"() ({
      %run_scoped3A = tpu.sem_alloc : memref<!tpu.dma_semaphore, #tpu.memory_space<semaphore_mem>>
      %dma_start3A = arith.constant 0 : i32
      %dma_start3A_118 = tpu.memref_slice %arg3[%add3A_3, %arg1, %dma_start3A] : memref<4x16x4096xf32, #tpu.memory_space<hbm>> -> memref<1x1x4096xf32, #tpu.memory_space<hbm>>
      %dma_start3A_119 = tpu.memref_squeeze %dma_start3A_118 : memref<1x1x4096xf32, #tpu.memory_space<hbm>> -> memref<4096xf32, #tpu.memory_space<hbm>>
      %dma_start3A_120 = arith.constant 0 : i32
      %dma_start3A_121 = tpu.memref_slice %arg3[%add3A_3, %arg1, %dma_start3A_120] : memref<4x16x4096xf32, #tpu.memory_space<hbm>> -> memref<1x1x4096xf32, #tpu.memory_space<hbm>>
      %dma_start3A_122 = tpu.memref_squeeze %dma_start3A_121 : memref<1x1x4096xf32, #tpu.memory_space<hbm>> -> memref<4096xf32, #tpu.memory_space<hbm>>
      tpu.enqueue_dma source(%dma_start3A_122 : memref<4096xf32, #tpu.memory_space<hbm>>) target(%arg12 : memref<4096xf32, #tpu.memory_space<vmem>>) target_semaphore(%run_scoped3A : memref<!tpu.dma_semaphore, #tpu.memory_space<semaphore_mem>>)
      %dma_wait3A = arith.constant 0 : i32
      %dma_wait3A_123 = tpu.memref_slice %arg3[%add3A_3, %arg1, %dma_wait3A] : memref<4x16x4096xf32, #tpu.memory_space<hbm>> -> memref<1x1x4096xf32, #tpu.memory_space<hbm>>
      %dma_wait3A_124 = tpu.memref_squeeze %dma_wait3A_123 : memref<1x1x4096xf32, #tpu.memory_space<hbm>> -> memref<4096xf32, #tpu.memory_space<hbm>>
      %dma_wait3A_125 = arith.constant 0 : i32
      %dma_wait3A_126 = tpu.memref_slice %arg3[%add3A_3, %arg1, %dma_wait3A_125] : memref<4x16x4096xf32, #tpu.memory_space<hbm>> -> memref<1x1x4096xf32, #tpu.memory_space<hbm>>
      %dma_wait3A_127 = tpu.memref_squeeze %dma_wait3A_126 : memref<1x1x4096xf32, #tpu.memory_space<hbm>> -> memref<4096xf32, #tpu.memory_space<hbm>>
      tpu.wait_dma2 semaphore(%run_scoped3A : memref<!tpu.dma_semaphore, #tpu.memory_space<semaphore_mem>>) src(%dma_wait3A_127 : memref<4096xf32, #tpu.memory_space<hbm>>) dst(%arg12 : memref<4096xf32, #tpu.memory_space<vmem>>)
      tpu.yield
    }) : () -> ()
    %scan3A = arith.constant 0 : i32
    %scan3A_7 = arith.constant 0 : i32
    %scan3A_8 = arith.constant 256 : i32
    %scan3A_9 = arith.addi %scan3A_7, %scan3A_8 : i32
    %scan3A_10 = arith.constant 2 : i32
    scf.for %scan3A_118 = %scan3A_7 to %scan3A_9 step %scan3A_10  : i32 {
      %mul3A_119 = arith.constant 16 : i32
      %mul3A_120 = arith.muli %scan3A_118, %mul3A_119 : i32
      %multiple_of3A = tpu.assume_multiple %mul3A_120, 16 : i32
      %get3A = arith.index_cast %multiple_of3A : i32 to index
      %get3A_121 = tpu.vector_load %arg5[%get3A] {strides = array<i32>} : memref<4096xi32, #tpu.memory_space<vmem>>, vector<16xi32>,
      %mul3A_122 = arith.constant 16 : i32
      %mul3A_123 = arith.muli %scan3A_118, %mul3A_122 : i32
      %add3A_124 = vector.broadcast %mul3A_123 : i32 to vector<16xi32>
      %add3A_125 = arith.addi %add3A_124, %iota3A : vector<16xi32>
      %and3A = arith.constant 255 : i32
      %and3A_126 = vector.broadcast %and3A : i32 to vector<16xi32>
      %and3A_127 = arith.andi %add3A_125, %and3A_126 : vector<16xi32>
      %shift_left3A = arith.constant 4 : i32
      %shift_left3A_128 = vector.broadcast %shift_left3A : i32 to vector<16xi32>
      %shift_left3A_129 = arith.shli %and3A_127, %shift_left3A_128 : vector<16xi32>
      %shift_right_logical3A = arith.constant 8 : i32
      %shift_right_logical3A_130 = vector.broadcast %shift_right_logical3A : i32 to vector<16xi32>
      %shift_right_logical3A_131 = arith.shrui %add3A_125, %shift_right_logical3A_130 : vector<16xi32>
      %add3A_132 = arith.addi %shift_left3A_129, %shift_right_logical3A_131 : vector<16xi32>
      tpu.vector_store_idx %arg6[%add3A_132], %get3A_121 : memref<4096xi32, #tpu.memory_space<vmem>>[vector<16xi32>], vector<16xi32>,
      tpu.vector_store_idx %arg7[%add3A_132], %add3A_125 : memref<4096xi32, #tpu.memory_space<vmem>>[vector<16xi32>], vector<16xi32>,
      %scan3A_133 = arith.constant 1 : i32
      %scan3A_134 = arith.addi %scan3A_118, %scan3A_133 : i32
      %mul3A_135 = arith.constant 16 : i32
      %mul3A_136 = arith.muli %scan3A_134, %mul3A_135 : i32
      %multiple_of3A_137 = tpu.assume_multiple %mul3A_136, 16 : i32
      %get3A_138 = arith.index_cast %multiple_of3A_137 : i32 to index
      %get3A_139 = tpu.vector_load %arg5[%get3A_138] {strides = array<i32>} : memref<4096xi32, #tpu.memory_space<vmem>>, vector<16xi32>,
      %mul3A_140 = arith.constant 16 : i32
      %mul3A_141 = arith.muli %scan3A_134, %mul3A_140 : i32
      %add3A_142 = vector.broadcast %mul3A_141 : i32 to vector<16xi32>
      %add3A_143 = arith.addi %add3A_142, %iota3A : vector<16xi32>
      %and3A_144 = arith.constant 255 : i32
      %and3A_145 = vector.broadcast %and3A_144 : i32 to vector<16xi32>
      %and3A_146 = arith.andi %add3A_143, %and3A_145 : vector<16xi32>
      %shift_left3A_147 = arith.constant 4 : i32
      %shift_left3A_148 = vector.broadcast %shift_left3A_147 : i32 to vector<16xi32>
      %shift_left3A_149 = arith.shli %and3A_146, %shift_left3A_148 : vector<16xi32>
      %shift_right_logical3A_150 = arith.constant 8 : i32
      %shift_right_logical3A_151 = vector.broadcast %shift_right_logical3A_150 : i32 to vector<16xi32>
      %shift_right_logical3A_152 = arith.shrui %add3A_143, %shift_right_logical3A_151 : vector<16xi32>
      %add3A_153 = arith.addi %shift_left3A_149, %shift_right_logical3A_152 : vector<16xi32>
      tpu.vector_store_idx %arg6[%add3A_153], %get3A_139 : memref<4096xi32, #tpu.memory_space<vmem>>[vector<16xi32>], vector<16xi32>,
      tpu.vector_store_idx %arg7[%add3A_153], %add3A_143 : memref<4096xi32, #tpu.memory_space<vmem>>[vector<16xi32>], vector<16xi32>,
    }
    %scan3A_11 = arith.constant 256 : i32
    %scan3A_12 = arith.constant 0 : i32
    %scan3A_13 = arith.constant 0 : i32
    %scan3A_14 = arith.constant 256 : i32
    %scan3A_15 = arith.addi %scan3A_13, %scan3A_14 : i32
    %scan3A_16 = arith.constant 4 : i32
    scf.for %scan3A_118 = %scan3A_13 to %scan3A_15 step %scan3A_16  : i32 {
      %mul3A_119 = arith.constant 16 : i32
      %mul3A_120 = arith.muli %scan3A_118, %mul3A_119 : i32
      %multiple_of3A = tpu.assume_multiple %mul3A_120, 16 : i32
      %swap3A = arith.index_cast %multiple_of3A : i32 to index
      %swap3A_121 = tpu.vector_load %arg10[%swap3A] {strides = array<i32>} : memref<4096xi32, #tpu.memory_space<vmem>>, vector<16xi32>,
      tpu.vector_store %arg10[%swap3A], %broadcast_in_dim3A_6 {strides = array<i32>} : memref<4096xi32, #tpu.memory_space<vmem>>, vector<16xi32>,
      %scan3A_122 = arith.constant 1 : i32
      %scan3A_123 = arith.addi %scan3A_118, %scan3A_122 : i32
      %mul3A_124 = arith.constant 16 : i32
      %mul3A_125 = arith.muli %scan3A_123, %mul3A_124 : i32
      %multiple_of3A_126 = tpu.assume_multiple %mul3A_125, 16 : i32
      %swap3A_127 = arith.index_cast %multiple_of3A_126 : i32 to index
      %swap3A_128 = tpu.vector_load %arg10[%swap3A_127] {strides = array<i32>} : memref<4096xi32, #tpu.memory_space<vmem>>, vector<16xi32>,
      tpu.vector_store %arg10[%swap3A_127], %broadcast_in_dim3A_6 {strides = array<i32>} : memref<4096xi32, #tpu.memory_space<vmem>>, vector<16xi32>,
      %scan3A_129 = arith.constant 2 : i32
      %scan3A_130 = arith.addi %scan3A_118, %scan3A_129 : i32
      %mul3A_131 = arith.constant 16 : i32
      %mul3A_132 = arith.muli %scan3A_130, %mul3A_131 : i32
      %multiple_of3A_133 = tpu.assume_multiple %mul3A_132, 16 : i32
      %swap3A_134 = arith.index_cast %multiple_of3A_133 : i32 to index
      %swap3A_135 = tpu.vector_load %arg10[%swap3A_134] {strides = array<i32>} : memref<4096xi32, #tpu.memory_space<vmem>>, vector<16xi32>,
      tpu.vector_store %arg10[%swap3A_134], %broadcast_in_dim3A_6 {strides = array<i32>} : memref<4096xi32, #tpu.memory_space<vmem>>, vector<16xi32>,
      %scan3A_136 = arith.constant 3 : i32
      %scan3A_137 = arith.addi %scan3A_118, %scan3A_136 : i32
      %mul3A_138 = arith.constant 16 : i32
      %mul3A_139 = arith.muli %scan3A_137, %mul3A_138 : i32
      %multiple_of3A_140 = tpu.assume_multiple %mul3A_139, 16 : i32
      %swap3A_141 = arith.index_cast %multiple_of3A_140 : i32 to index
      %swap3A_142 = tpu.vector_load %arg10[%swap3A_141] {strides = array<i32>} : memref<4096xi32, #tpu.memory_space<vmem>>, vector<16xi32>,
      tpu.vector_store %arg10[%swap3A_141], %broadcast_in_dim3A_6 {strides = array<i32>} : memref<4096xi32, #tpu.memory_space<vmem>>, vector<16xi32>,
    }
    %scan3A_17 = arith.constant 256 : i32
    %scan3A_18 = arith.constant 0 : i32
    %scan3A_19 = arith.constant 0 : i32
    %scan3A_20 = arith.constant 256 : i32
    %scan3A_21 = arith.addi %scan3A_19, %scan3A_20 : i32
    %scan3A_22 = arith.constant 2 : i32
    scf.for %scan3A_118 = %scan3A_19 to %scan3A_21 step %scan3A_22  : i32 {
      %mul3A_119 = arith.constant 16 : i32
      %mul3A_120 = arith.muli %scan3A_118, %mul3A_119 : i32
      %multiple_of3A = tpu.assume_multiple %mul3A_120, 16 : i32
      %get3A = arith.index_cast %multiple_of3A : i32 to index
      %get3A_121 = tpu.vector_load %arg6[%get3A] {strides = array<i32>} : memref<4096xi32, #tpu.memory_space<vmem>>, vector<16xi32>,
      %shift_right_logical3A = arith.constant 0 : i32
      %shift_right_logical3A_122 = vector.broadcast %shift_right_logical3A : i32 to vector<16xi32>
      %shift_right_logical3A_123 = arith.shrui %get3A_121, %shift_right_logical3A_122 : vector<16xi32>
      %and3A = arith.constant 255 : i32
      %and3A_124 = vector.broadcast %and3A : i32 to vector<16xi32>
      %and3A_125 = arith.andi %shift_right_logical3A_123, %and3A_124 : vector<16xi32>
      %shift_left3A = arith.constant 4 : i32
      %shift_left3A_126 = vector.broadcast %shift_left3A : i32 to vector<16xi32>
      %shift_left3A_127 = arith.shli %and3A_125, %shift_left3A_126 : vector<16xi32>
      %add3A_128 = arith.addi %shift_left3A_127, %iota3A : vector<16xi32>
      tpu.vector_store_idx %arg10[%add3A_128], %broadcast_in_dim3A_4 {add = true} : memref<4096xi32, #tpu.memory_space<vmem>>[vector<16xi32>], vector<16xi32>,
      %scan3A_129 = arith.constant 1 : i32
      %scan3A_130 = arith.addi %scan3A_118, %scan3A_129 : i32
      %mul3A_131 = arith.constant 16 : i32
      %mul3A_132 = arith.muli %scan3A_130, %mul3A_131 : i32
      %multiple_of3A_133 = tpu.assume_multiple %mul3A_132, 16 : i32
      %get3A_134 = arith.index_cast %multiple_of3A_133 : i32 to index
      %get3A_135 = tpu.vector_load %arg6[%get3A_134] {strides = array<i32>} : memref<4096xi32, #tpu.memory_space<vmem>>, vector<16xi32>,
      %shift_right_logical3A_136 = arith.constant 0 : i32
      %shift_right_logical3A_137 = vector.broadcast %shift_right_logical3A_136 : i32 to vector<16xi32>
      %shift_right_logical3A_138 = arith.shrui %get3A_135, %shift_right_logical3A_137 : vector<16xi32>
      %and3A_139 = arith.constant 255 : i32
      %and3A_140 = vector.broadcast %and3A_139 : i32 to vector<16xi32>
      %and3A_141 = arith.andi %shift_right_logical3A_138, %and3A_140 : vector<16xi32>
      %shift_left3A_142 = arith.constant 4 : i32
      %shift_left3A_143 = vector.broadcast %shift_left3A_142 : i32 to vector<16xi32>
      %shift_left3A_144 = arith.shli %and3A_141, %shift_left3A_143 : vector<16xi32>
      %add3A_145 = arith.addi %shift_left3A_144, %iota3A : vector<16xi32>
      tpu.vector_store_idx %arg10[%add3A_145], %broadcast_in_dim3A_4 {add = true} : memref<4096xi32, #tpu.memory_space<vmem>>[vector<16xi32>], vector<16xi32>,
    }
    %scan3A_23 = arith.constant 256 : i32
    %scan3A_24 = arith.constant 0 : i32
    %scan3A_25 = arith.constant 0 : i32
    %scan3A_26 = arith.constant 256 : i32
    %scan3A_27 = arith.addi %scan3A_25, %scan3A_26 : i32
    %scan3A_28 = arith.constant 2 : i32
    %scan3A_29 = scf.for %scan3A_118 = %scan3A_25 to %scan3A_27 step %scan3A_28 iter_args(%scan3A_119 = %scan3A_24) -> (i32)  : i32 {
      %mul3A_120 = arith.constant 16 : i32
      %mul3A_121 = arith.muli %scan3A_118, %mul3A_120 : i32
      %multiple_of3A = tpu.assume_multiple %mul3A_121, 16 : i32
      %get3A = arith.index_cast %multiple_of3A : i32 to index
      %get3A_122 = tpu.vector_load %arg10[%get3A] {strides = array<i32>} : memref<4096xi32, #tpu.memory_space<vmem>>, vector<16xi32>,
      %broadcast_in_dim3A_123 = arith.constant true
      %broadcast_in_dim3A_124 = vector.broadcast %broadcast_in_dim3A_123 : i1 to vector<16xi1>
      %masked_cumsum3A = tpu.scan <sum>, %get3A_122 masked %broadcast_in_dim3A_124 : vector<16xi32>, vector<16xi1> -> vector<16xi32>
      %add3A_125 = vector.broadcast %scan3A_119 : i32 to vector<16xi32>
      %add3A_126 = arith.addi %add3A_125, %masked_cumsum3A : vector<16xi32>
      %sub3A = arith.subi %add3A_126, %get3A_122 : vector<16xi32>
      %mul3A_127 = arith.constant 16 : i32
      %mul3A_128 = arith.muli %scan3A_118, %mul3A_127 : i32
      %multiple_of3A_129 = tpu.assume_multiple %mul3A_128, 16 : i32
      %swap3A = arith.index_cast %multiple_of3A_129 : i32 to index
      %swap3A_130 = tpu.vector_load %arg10[%swap3A] {strides = array<i32>} : memref<4096xi32, #tpu.memory_space<vmem>>, vector<16xi32>,
      tpu.vector_store %arg10[%swap3A], %sub3A {strides = array<i32>} : memref<4096xi32, #tpu.memory_space<vmem>>, vector<16xi32>,
      %reduce_sum3A = arith.constant true
      %reduce_sum3A_131 = vector.broadcast %reduce_sum3A : i1 to vector<16xi1>
      %reduce_sum3A_132 = tpu.scan <sum>, %get3A_122 masked %reduce_sum3A_131 : vector<16xi32>, vector<16xi1> -> vector<16xi32>
      %reduce_sum3A_133 = vector.extract %reduce_sum3A_132[15] : i32 from vector<16xi32>
      %add3A_134 = arith.addi %scan3A_119, %reduce_sum3A_133 : i32
      %scan3A_135 = arith.constant 1 : i32
      %scan3A_136 = arith.addi %scan3A_118, %scan3A_135 : i32
      %mul3A_137 = arith.constant 16 : i32
      %mul3A_138 = arith.muli %scan3A_136, %mul3A_137 : i32
      %multiple_of3A_139 = tpu.assume_multiple %mul3A_138, 16 : i32
      %get3A_140 = arith.index_cast %multiple_of3A_139 : i32 to index
      %get3A_141 = tpu.vector_load %arg10[%get3A_140] {strides = array<i32>} : memref<4096xi32, #tpu.memory_space<vmem>>, vector<16xi32>,
      %broadcast_in_dim3A_142 = arith.constant true
      %broadcast_in_dim3A_143 = vector.broadcast %broadcast_in_dim3A_142 : i1 to vector<16xi1>
      %masked_cumsum3A_144 = tpu.scan <sum>, %get3A_141 masked %broadcast_in_dim3A_143 : vector<16xi32>, vector<16xi1> -> vector<16xi32>
      %add3A_145 = vector.broadcast %add3A_134 : i32 to vector<16xi32>
      %add3A_146 = arith.addi %add3A_145, %masked_cumsum3A_144 : vector<16xi32>
      %sub3A_147 = arith.subi %add3A_146, %get3A_141 : vector<16xi32>
      %mul3A_148 = arith.constant 16 : i32
      %mul3A_149 = arith.muli %scan3A_136, %mul3A_148 : i32
      %multiple_of3A_150 = tpu.assume_multiple %mul3A_149, 16 : i32
      %swap3A_151 = arith.index_cast %multiple_of3A_150 : i32 to index
      %swap3A_152 = tpu.vector_load %arg10[%swap3A_151] {strides = array<i32>} : memref<4096xi32, #tpu.memory_space<vmem>>, vector<16xi32>,
      tpu.vector_store %arg10[%swap3A_151], %sub3A_147 {strides = array<i32>} : memref<4096xi32, #tpu.memory_space<vmem>>, vector<16xi32>,
      %reduce_sum3A_153 = arith.constant true
      %reduce_sum3A_154 = vector.broadcast %reduce_sum3A_153 : i1 to vector<16xi1>
      %reduce_sum3A_155 = tpu.scan <sum>, %get3A_141 masked %reduce_sum3A_154 : vector<16xi32>, vector<16xi1> -> vector<16xi32>
      %reduce_sum3A_156 = vector.extract %reduce_sum3A_155[15] : i32 from vector<16xi32>
      %add3A_157 = arith.addi %add3A_134, %reduce_sum3A_156 : i32
      scf.yield %add3A_157 : i32
    }
    %scan3A_30 = arith.constant 256 : i32
    %scan3A_31 = arith.constant 0 : i32
    %scan3A_32 = arith.constant 0 : i32
    %scan3A_33 = arith.constant 256 : i32
    %scan3A_34 = arith.addi %scan3A_32, %scan3A_33 : i32
    %scan3A_35 = arith.constant 2 : i32
    scf.for %scan3A_118 = %scan3A_32 to %scan3A_34 step %scan3A_35  : i32 {
      %mul3A_119 = arith.constant 16 : i32
      %mul3A_120 = arith.muli %scan3A_118, %mul3A_119 : i32
      %multiple_of3A = tpu.assume_multiple %mul3A_120, 16 : i32
      %get3A = arith.index_cast %multiple_of3A : i32 to index
      %get3A_121 = tpu.vector_load %arg6[%get3A] {strides = array<i32>} : memref<4096xi32, #tpu.memory_space<vmem>>, vector<16xi32>,
      %mul3A_122 = arith.constant 16 : i32
      %mul3A_123 = arith.muli %scan3A_118, %mul3A_122 : i32
      %multiple_of3A_124 = tpu.assume_multiple %mul3A_123, 16 : i32
      %get3A_125 = arith.index_cast %multiple_of3A_124 : i32 to index
      %get3A_126 = tpu.vector_load %arg7[%get3A_125] {strides = array<i32>} : memref<4096xi32, #tpu.memory_space<vmem>>, vector<16xi32>,
      %shift_right_logical3A = arith.constant 0 : i32
      %shift_right_logical3A_127 = vector.broadcast %shift_right_logical3A : i32 to vector<16xi32>
      %shift_right_logical3A_128 = arith.shrui %get3A_121, %shift_right_logical3A_127 : vector<16xi32>
      %and3A = arith.constant 255 : i32
      %and3A_129 = vector.broadcast %and3A : i32 to vector<16xi32>
      %and3A_130 = arith.andi %shift_right_logical3A_128, %and3A_129 : vector<16xi32>
      %shift_left3A = arith.constant 4 : i32
      %shift_left3A_131 = vector.broadcast %shift_left3A : i32 to vector<16xi32>
      %shift_left3A_132 = arith.shli %and3A_130, %shift_left3A_131 : vector<16xi32>
      %add3A_133 = arith.addi %shift_left3A_132, %iota3A : vector<16xi32>
      %gather3A = tpu.vector_load_idx %arg10[%add3A_133] : memref<4096xi32, #tpu.memory_space<vmem>>[vector<16xi32>], vector<16xi32>,
      %add3A_134 = arith.addi %gather3A, %broadcast_in_dim3A_4 : vector<16xi32>
      tpu.vector_store_idx %arg10[%add3A_133], %add3A_134 : memref<4096xi32, #tpu.memory_space<vmem>>[vector<16xi32>], vector<16xi32>,
      %and3A_135 = arith.constant 255 : i32
      %and3A_136 = vector.broadcast %and3A_135 : i32 to vector<16xi32>
      %and3A_137 = arith.andi %gather3A, %and3A_136 : vector<16xi32>
      %shift_left3A_138 = arith.constant 4 : i32
      %shift_left3A_139 = vector.broadcast %shift_left3A_138 : i32 to vector<16xi32>
      %shift_left3A_140 = arith.shli %and3A_137, %shift_left3A_139 : vector<16xi32>
      %shift_right_logical3A_141 = arith.constant 8 : i32
      %shift_right_logical3A_142 = vector.broadcast %shift_right_logical3A_141 : i32 to vector<16xi32>
      %shift_right_logical3A_143 = arith.shrui %gather3A, %shift_right_logical3A_142 : vector<16xi32>
      %add3A_144 = arith.addi %shift_left3A_140, %shift_right_logical3A_143 : vector<16xi32>
      tpu.vector_store_idx %arg8[%add3A_144], %get3A_121 : memref<4096xi32, #tpu.memory_space<vmem>>[vector<16xi32>], vector<16xi32>,
      tpu.vector_store_idx %arg9[%add3A_144], %get3A_126 : memref<4096xi32, #tpu.memory_space<vmem>>[vector<16xi32>], vector<16xi32>,
      %scan3A_145 = arith.constant 1 : i32
      %scan3A_146 = arith.addi %scan3A_118, %scan3A_145 : i32
      %mul3A_147 = arith.constant 16 : i32
      %mul3A_148 = arith.muli %scan3A_146, %mul3A_147 : i32
      %multiple_of3A_149 = tpu.assume_multiple %mul3A_148, 16 : i32
      %get3A_150 = arith.index_cast %multiple_of3A_149 : i32 to index
      %get3A_151 = tpu.vector_load %arg6[%get3A_150] {strides = array<i32>} : memref<4096xi32, #tpu.memory_space<vmem>>, vector<16xi32>,
      %mul3A_152 = arith.constant 16 : i32
      %mul3A_153 = arith.muli %scan3A_146, %mul3A_152 : i32
      %multiple_of3A_154 = tpu.assume_multiple %mul3A_153, 16 : i32
      %get3A_155 = arith.index_cast %multiple_of3A_154 : i32 to index
      %get3A_156 = tpu.vector_load %arg7[%get3A_155] {strides = array<i32>} : memref<4096xi32, #tpu.memory_space<vmem>>, vector<16xi32>,
      %shift_right_logical3A_157 = arith.constant 0 : i32
      %shift_right_logical3A_158 = vector.broadcast %shift_right_logical3A_157 : i32 to vector<16xi32>
      %shift_right_logical3A_159 = arith.shrui %get3A_151, %shift_right_logical3A_158 : vector<16xi32>
      %and3A_160 = arith.constant 255 : i32
      %and3A_161 = vector.broadcast %and3A_160 : i32 to vector<16xi32>
      %and3A_162 = arith.andi %shift_right_logical3A_159, %and3A_161 : vector<16xi32>
      %shift_left3A_163 = arith.constant 4 : i32
      %shift_left3A_164 = vector.broadcast %shift_left3A_163 : i32 to vector<16xi32>
      %shift_left3A_165 = arith.shli %and3A_162, %shift_left3A_164 : vector<16xi32>
      %add3A_166 = arith.addi %shift_left3A_165, %iota3A : vector<16xi32>
      %gather3A_167 = tpu.vector_load_idx %arg10[%add3A_166] : memref<4096xi32, #tpu.memory_space<vmem>>[vector<16xi32>], vector<16xi32>,
      %add3A_168 = arith.addi %gather3A_167, %broadcast_in_dim3A_4 : vector<16xi32>
      tpu.vector_store_idx %arg10[%add3A_166], %add3A_168 : memref<4096xi32, #tpu.memory_space<vmem>>[vector<16xi32>], vector<16xi32>,
      %and3A_169 = arith.constant 255 : i32
      %and3A_170 = vector.broadcast %and3A_169 : i32 to vector<16xi32>
      %and3A_171 = arith.andi %gather3A_167, %and3A_170 : vector<16xi32>
      %shift_left3A_172 = arith.constant 4 : i32
      %shift_left3A_173 = vector.broadcast %shift_left3A_172 : i32 to vector<16xi32>
      %shift_left3A_174 = arith.shli %and3A_171, %shift_left3A_173 : vector<16xi32>
      %shift_right_logical3A_175 = arith.constant 8 : i32
      %shift_right_logical3A_176 = vector.broadcast %shift_right_logical3A_175 : i32 to vector<16xi32>
      %shift_right_logical3A_177 = arith.shrui %gather3A_167, %shift_right_logical3A_176 : vector<16xi32>
      %add3A_178 = arith.addi %shift_left3A_174, %shift_right_logical3A_177 : vector<16xi32>
      tpu.vector_store_idx %arg8[%add3A_178], %get3A_151 : memref<4096xi32, #tpu.memory_space<vmem>>[vector<16xi32>], vector<16xi32>,
      tpu.vector_store_idx %arg9[%add3A_178], %get3A_156 : memref<4096xi32, #tpu.memory_space<vmem>>[vector<16xi32>], vector<16xi32>,
    }
    %scan3A_36 = arith.constant 256 : i32
    %scan3A_37 = arith.constant 0 : i32
    %scan3A_38 = arith.constant 0 : i32
    %scan3A_39 = arith.constant 256 : i32
    %scan3A_40 = arith.addi %scan3A_38, %scan3A_39 : i32
    %scan3A_41 = arith.constant 4 : i32
    scf.for %scan3A_118 = %scan3A_38 to %scan3A_40 step %scan3A_41  : i32 {
      %mul3A_119 = arith.constant 16 : i32
      %mul3A_120 = arith.muli %scan3A_118, %mul3A_119 : i32
      %multiple_of3A = tpu.assume_multiple %mul3A_120, 16 : i32
      %swap3A = arith.index_cast %multiple_of3A : i32 to index
      %swap3A_121 = tpu.vector_load %arg10[%swap3A] {strides = array<i32>} : memref<4096xi32, #tpu.memory_space<vmem>>, vector<16xi32>,
      tpu.vector_store %arg10[%swap3A], %broadcast_in_dim3A_6 {strides = array<i32>} : memref<4096xi32, #tpu.memory_space<vmem>>, vector<16xi32>,
      %scan3A_122 = arith.constant 1 : i32
      %scan3A_123 = arith.addi %scan3A_118, %scan3A_122 : i32
      %mul3A_124 = arith.constant 16 : i32
      %mul3A_125 = arith.muli %scan3A_123, %mul3A_124 : i32
      %multiple_of3A_126 = tpu.assume_multiple %mul3A_125, 16 : i32
      %swap3A_127 = arith.index_cast %multiple_of3A_126 : i32 to index
      %swap3A_128 = tpu.vector_load %arg10[%swap3A_127] {strides = array<i32>} : memref<4096xi32, #tpu.memory_space<vmem>>, vector<16xi32>,
      tpu.vector_store %arg10[%swap3A_127], %broadcast_in_dim3A_6 {strides = array<i32>} : memref<4096xi32, #tpu.memory_space<vmem>>, vector<16xi32>,
      %scan3A_129 = arith.constant 2 : i32
      %scan3A_130 = arith.addi %scan3A_118, %scan3A_129 : i32
      %mul3A_131 = arith.constant 16 : i32
      %mul3A_132 = arith.muli %scan3A_130, %mul3A_131 : i32
      %multiple_of3A_133 = tpu.assume_multiple %mul3A_132, 16 : i32
      %swap3A_134 = arith.index_cast %multiple_of3A_133 : i32 to index
      %swap3A_135 = tpu.vector_load %arg10[%swap3A_134] {strides = array<i32>} : memref<4096xi32, #tpu.memory_space<vmem>>, vector<16xi32>,
      tpu.vector_store %arg10[%swap3A_134], %broadcast_in_dim3A_6 {strides = array<i32>} : memref<4096xi32, #tpu.memory_space<vmem>>, vector<16xi32>,
      %scan3A_136 = arith.constant 3 : i32
      %scan3A_137 = arith.addi %scan3A_118, %scan3A_136 : i32
      %mul3A_138 = arith.constant 16 : i32
      %mul3A_139 = arith.muli %scan3A_137, %mul3A_138 : i32
      %multiple_of3A_140 = tpu.assume_multiple %mul3A_139, 16 : i32
      %swap3A_141 = arith.index_cast %multiple_of3A_140 : i32 to index
      %swap3A_142 = tpu.vector_load %arg10[%swap3A_141] {strides = array<i32>} : memref<4096xi32, #tpu.memory_space<vmem>>, vector<16xi32>,
      tpu.vector_store %arg10[%swap3A_141], %broadcast_in_dim3A_6 {strides = array<i32>} : memref<4096xi32, #tpu.memory_space<vmem>>, vector<16xi32>,
    }
    %scan3A_42 = arith.constant 256 : i32
    %scan3A_43 = arith.constant 0 : i32
    %scan3A_44 = arith.constant 0 : i32
    %scan3A_45 = arith.constant 256 : i32
    %scan3A_46 = arith.addi %scan3A_44, %scan3A_45 : i32
    %scan3A_47 = arith.constant 2 : i32
    scf.for %scan3A_118 = %scan3A_44 to %scan3A_46 step %scan3A_47  : i32 {
      %mul3A_119 = arith.constant 16 : i32
      %mul3A_120 = arith.muli %scan3A_118, %mul3A_119 : i32
      %multiple_of3A = tpu.assume_multiple %mul3A_120, 16 : i32
      %get3A = arith.index_cast %multiple_of3A : i32 to index
      %get3A_121 = tpu.vector_load %arg8[%get3A] {strides = array<i32>} : memref<4096xi32, #tpu.memory_space<vmem>>, vector<16xi32>,
      %shift_right_logical3A = arith.constant 8 : i32
      %shift_right_logical3A_122 = vector.broadcast %shift_right_logical3A : i32 to vector<16xi32>
      %shift_right_logical3A_123 = arith.shrui %get3A_121, %shift_right_logical3A_122 : vector<16xi32>
      %and3A = arith.constant 255 : i32
      %and3A_124 = vector.broadcast %and3A : i32 to vector<16xi32>
      %and3A_125 = arith.andi %shift_right_logical3A_123, %and3A_124 : vector<16xi32>
      %shift_left3A = arith.constant 4 : i32
      %shift_left3A_126 = vector.broadcast %shift_left3A : i32 to vector<16xi32>
      %shift_left3A_127 = arith.shli %and3A_125, %shift_left3A_126 : vector<16xi32>
      %add3A_128 = arith.addi %shift_left3A_127, %iota3A : vector<16xi32>
      tpu.vector_store_idx %arg10[%add3A_128], %broadcast_in_dim3A_4 {add = true} : memref<4096xi32, #tpu.memory_space<vmem>>[vector<16xi32>], vector<16xi32>,
      %scan3A_129 = arith.constant 1 : i32
      %scan3A_130 = arith.addi %scan3A_118, %scan3A_129 : i32
      %mul3A_131 = arith.constant 16 : i32
      %mul3A_132 = arith.muli %scan3A_130, %mul3A_131 : i32
      %multiple_of3A_133 = tpu.assume_multiple %mul3A_132, 16 : i32
      %get3A_134 = arith.index_cast %multiple_of3A_133 : i32 to index
      %get3A_135 = tpu.vector_load %arg8[%get3A_134] {strides = array<i32>} : memref<4096xi32, #tpu.memory_space<vmem>>, vector<16xi32>,
      %shift_right_logical3A_136 = arith.constant 8 : i32
      %shift_right_logical3A_137 = vector.broadcast %shift_right_logical3A_136 : i32 to vector<16xi32>
      %shift_right_logical3A_138 = arith.shrui %get3A_135, %shift_right_logical3A_137 : vector<16xi32>
      %and3A_139 = arith.constant 255 : i32
      %and3A_140 = vector.broadcast %and3A_139 : i32 to vector<16xi32>
      %and3A_141 = arith.andi %shift_right_logical3A_138, %and3A_140 : vector<16xi32>
      %shift_left3A_142 = arith.constant 4 : i32
      %shift_left3A_143 = vector.broadcast %shift_left3A_142 : i32 to vector<16xi32>
      %shift_left3A_144 = arith.shli %and3A_141, %shift_left3A_143 : vector<16xi32>
      %add3A_145 = arith.addi %shift_left3A_144, %iota3A : vector<16xi32>
      tpu.vector_store_idx %arg10[%add3A_145], %broadcast_in_dim3A_4 {add = true} : memref<4096xi32, #tpu.memory_space<vmem>>[vector<16xi32>], vector<16xi32>,
    }
    %scan3A_48 = arith.constant 256 : i32
    %scan3A_49 = arith.constant 0 : i32
    %scan3A_50 = arith.constant 0 : i32
    %scan3A_51 = arith.constant 256 : i32
    %scan3A_52 = arith.addi %scan3A_50, %scan3A_51 : i32
    %scan3A_53 = arith.constant 2 : i32
    %scan3A_54 = scf.for %scan3A_118 = %scan3A_50 to %scan3A_52 step %scan3A_53 iter_args(%scan3A_119 = %scan3A_49) -> (i32)  : i32 {
      %mul3A_120 = arith.constant 16 : i32
      %mul3A_121 = arith.muli %scan3A_118, %mul3A_120 : i32
      %multiple_of3A = tpu.assume_multiple %mul3A_121, 16 : i32
      %get3A = arith.index_cast %multiple_of3A : i32 to index
      %get3A_122 = tpu.vector_load %arg10[%get3A] {strides = array<i32>} : memref<4096xi32, #tpu.memory_space<vmem>>, vector<16xi32>,
      %broadcast_in_dim3A_123 = arith.constant true
      %broadcast_in_dim3A_124 = vector.broadcast %broadcast_in_dim3A_123 : i1 to vector<16xi1>
      %masked_cumsum3A = tpu.scan <sum>, %get3A_122 masked %broadcast_in_dim3A_124 : vector<16xi32>, vector<16xi1> -> vector<16xi32>
      %add3A_125 = vector.broadcast %scan3A_119 : i32 to vector<16xi32>
      %add3A_126 = arith.addi %add3A_125, %masked_cumsum3A : vector<16xi32>
      %sub3A = arith.subi %add3A_126, %get3A_122 : vector<16xi32>
      %mul3A_127 = arith.constant 16 : i32
      %mul3A_128 = arith.muli %scan3A_118, %mul3A_127 : i32
      %multiple_of3A_129 = tpu.assume_multiple %mul3A_128, 16 : i32
      %swap3A = arith.index_cast %multiple_of3A_129 : i32 to index
      %swap3A_130 = tpu.vector_load %arg10[%swap3A] {strides = array<i32>} : memref<4096xi32, #tpu.memory_space<vmem>>, vector<16xi32>,
      tpu.vector_store %arg10[%swap3A], %sub3A {strides = array<i32>} : memref<4096xi32, #tpu.memory_space<vmem>>, vector<16xi32>,
      %reduce_sum3A = arith.constant true
      %reduce_sum3A_131 = vector.broadcast %reduce_sum3A : i1 to vector<16xi1>
      %reduce_sum3A_132 = tpu.scan <sum>, %get3A_122 masked %reduce_sum3A_131 : vector<16xi32>, vector<16xi1> -> vector<16xi32>
      %reduce_sum3A_133 = vector.extract %reduce_sum3A_132[15] : i32 from vector<16xi32>
      %add3A_134 = arith.addi %scan3A_119, %reduce_sum3A_133 : i32
      %scan3A_135 = arith.constant 1 : i32
      %scan3A_136 = arith.addi %scan3A_118, %scan3A_135 : i32
      %mul3A_137 = arith.constant 16 : i32
      %mul3A_138 = arith.muli %scan3A_136, %mul3A_137 : i32
      %multiple_of3A_139 = tpu.assume_multiple %mul3A_138, 16 : i32
      %get3A_140 = arith.index_cast %multiple_of3A_139 : i32 to index
      %get3A_141 = tpu.vector_load %arg10[%get3A_140] {strides = array<i32>} : memref<4096xi32, #tpu.memory_space<vmem>>, vector<16xi32>,
      %broadcast_in_dim3A_142 = arith.constant true
      %broadcast_in_dim3A_143 = vector.broadcast %broadcast_in_dim3A_142 : i1 to vector<16xi1>
      %masked_cumsum3A_144 = tpu.scan <sum>, %get3A_141 masked %broadcast_in_dim3A_143 : vector<16xi32>, vector<16xi1> -> vector<16xi32>
      %add3A_145 = vector.broadcast %add3A_134 : i32 to vector<16xi32>
      %add3A_146 = arith.addi %add3A_145, %masked_cumsum3A_144 : vector<16xi32>
      %sub3A_147 = arith.subi %add3A_146, %get3A_141 : vector<16xi32>
      %mul3A_148 = arith.constant 16 : i32
      %mul3A_149 = arith.muli %scan3A_136, %mul3A_148 : i32
      %multiple_of3A_150 = tpu.assume_multiple %mul3A_149, 16 : i32
      %swap3A_151 = arith.index_cast %multiple_of3A_150 : i32 to index
      %swap3A_152 = tpu.vector_load %arg10[%swap3A_151] {strides = array<i32>} : memref<4096xi32, #tpu.memory_space<vmem>>, vector<16xi32>,
      tpu.vector_store %arg10[%swap3A_151], %sub3A_147 {strides = array<i32>} : memref<4096xi32, #tpu.memory_space<vmem>>, vector<16xi32>,
      %reduce_sum3A_153 = arith.constant true
      %reduce_sum3A_154 = vector.broadcast %reduce_sum3A_153 : i1 to vector<16xi1>
      %reduce_sum3A_155 = tpu.scan <sum>, %get3A_141 masked %reduce_sum3A_154 : vector<16xi32>, vector<16xi1> -> vector<16xi32>
      %reduce_sum3A_156 = vector.extract %reduce_sum3A_155[15] : i32 from vector<16xi32>
      %add3A_157 = arith.addi %add3A_134, %reduce_sum3A_156 : i32
      scf.yield %add3A_157 : i32
    }
    %scan3A_55 = arith.constant 256 : i32
    %scan3A_56 = arith.constant 0 : i32
    %scan3A_57 = arith.constant 0 : i32
    %scan3A_58 = arith.constant 256 : i32
    %scan3A_59 = arith.addi %scan3A_57, %scan3A_58 : i32
    %scan3A_60 = arith.constant 2 : i32
    scf.for %scan3A_118 = %scan3A_57 to %scan3A_59 step %scan3A_60  : i32 {
      %mul3A_119 = arith.constant 16 : i32
      %mul3A_120 = arith.muli %scan3A_118, %mul3A_119 : i32
      %multiple_of3A = tpu.assume_multiple %mul3A_120, 16 : i32
      %get3A = arith.index_cast %multiple_of3A : i32 to index
      %get3A_121 = tpu.vector_load %arg8[%get3A] {strides = array<i32>} : memref<4096xi32, #tpu.memory_space<vmem>>, vector<16xi32>,
      %mul3A_122 = arith.constant 16 : i32
      %mul3A_123 = arith.muli %scan3A_118, %mul3A_122 : i32
      %multiple_of3A_124 = tpu.assume_multiple %mul3A_123, 16 : i32
      %get3A_125 = arith.index_cast %multiple_of3A_124 : i32 to index
      %get3A_126 = tpu.vector_load %arg9[%get3A_125] {strides = array<i32>} : memref<4096xi32, #tpu.memory_space<vmem>>, vector<16xi32>,
      %shift_right_logical3A = arith.constant 8 : i32
      %shift_right_logical3A_127 = vector.broadcast %shift_right_logical3A : i32 to vector<16xi32>
      %shift_right_logical3A_128 = arith.shrui %get3A_121, %shift_right_logical3A_127 : vector<16xi32>
      %and3A = arith.constant 255 : i32
      %and3A_129 = vector.broadcast %and3A : i32 to vector<16xi32>
      %and3A_130 = arith.andi %shift_right_logical3A_128, %and3A_129 : vector<16xi32>
      %shift_left3A = arith.constant 4 : i32
      %shift_left3A_131 = vector.broadcast %shift_left3A : i32 to vector<16xi32>
      %shift_left3A_132 = arith.shli %and3A_130, %shift_left3A_131 : vector<16xi32>
      %add3A_133 = arith.addi %shift_left3A_132, %iota3A : vector<16xi32>
      %gather3A = tpu.vector_load_idx %arg10[%add3A_133] : memref<4096xi32, #tpu.memory_space<vmem>>[vector<16xi32>], vector<16xi32>,
      %add3A_134 = arith.addi %gather3A, %broadcast_in_dim3A_4 : vector<16xi32>
      tpu.vector_store_idx %arg10[%add3A_133], %add3A_134 : memref<4096xi32, #tpu.memory_space<vmem>>[vector<16xi32>], vector<16xi32>,
      %and3A_135 = arith.constant 255 : i32
      %and3A_136 = vector.broadcast %and3A_135 : i32 to vector<16xi32>
      %and3A_137 = arith.andi %gather3A, %and3A_136 : vector<16xi32>
      %shift_left3A_138 = arith.constant 4 : i32
      %shift_left3A_139 = vector.broadcast %shift_left3A_138 : i32 to vector<16xi32>
      %shift_left3A_140 = arith.shli %and3A_137, %shift_left3A_139 : vector<16xi32>
      %shift_right_logical3A_141 = arith.constant 8 : i32
      %shift_right_logical3A_142 = vector.broadcast %shift_right_logical3A_141 : i32 to vector<16xi32>
      %shift_right_logical3A_143 = arith.shrui %gather3A, %shift_right_logical3A_142 : vector<16xi32>
      %add3A_144 = arith.addi %shift_left3A_140, %shift_right_logical3A_143 : vector<16xi32>
      tpu.vector_store_idx %arg6[%add3A_144], %get3A_121 : memref<4096xi32, #tpu.memory_space<vmem>>[vector<16xi32>], vector<16xi32>,
      tpu.vector_store_idx %arg7[%add3A_144], %get3A_126 : memref<4096xi32, #tpu.memory_space<vmem>>[vector<16xi32>], vector<16xi32>,
      %scan3A_145 = arith.constant 1 : i32
      %scan3A_146 = arith.addi %scan3A_118, %scan3A_145 : i32
      %mul3A_147 = arith.constant 16 : i32
      %mul3A_148 = arith.muli %scan3A_146, %mul3A_147 : i32
      %multiple_of3A_149 = tpu.assume_multiple %mul3A_148, 16 : i32
      %get3A_150 = arith.index_cast %multiple_of3A_149 : i32 to index
      %get3A_151 = tpu.vector_load %arg8[%get3A_150] {strides = array<i32>} : memref<4096xi32, #tpu.memory_space<vmem>>, vector<16xi32>,
      %mul3A_152 = arith.constant 16 : i32
      %mul3A_153 = arith.muli %scan3A_146, %mul3A_152 : i32
      %multiple_of3A_154 = tpu.assume_multiple %mul3A_153, 16 : i32
      %get3A_155 = arith.index_cast %multiple_of3A_154 : i32 to index
      %get3A_156 = tpu.vector_load %arg9[%get3A_155] {strides = array<i32>} : memref<4096xi32, #tpu.memory_space<vmem>>, vector<16xi32>,
      %shift_right_logical3A_157 = arith.constant 8 : i32
      %shift_right_logical3A_158 = vector.broadcast %shift_right_logical3A_157 : i32 to vector<16xi32>
      %shift_right_logical3A_159 = arith.shrui %get3A_151, %shift_right_logical3A_158 : vector<16xi32>
      %and3A_160 = arith.constant 255 : i32
      %and3A_161 = vector.broadcast %and3A_160 : i32 to vector<16xi32>
      %and3A_162 = arith.andi %shift_right_logical3A_159, %and3A_161 : vector<16xi32>
      %shift_left3A_163 = arith.constant 4 : i32
      %shift_left3A_164 = vector.broadcast %shift_left3A_163 : i32 to vector<16xi32>
      %shift_left3A_165 = arith.shli %and3A_162, %shift_left3A_164 : vector<16xi32>
      %add3A_166 = arith.addi %shift_left3A_165, %iota3A : vector<16xi32>
      %gather3A_167 = tpu.vector_load_idx %arg10[%add3A_166] : memref<4096xi32, #tpu.memory_space<vmem>>[vector<16xi32>], vector<16xi32>,
      %add3A_168 = arith.addi %gather3A_167, %broadcast_in_dim3A_4 : vector<16xi32>
      tpu.vector_store_idx %arg10[%add3A_166], %add3A_168 : memref<4096xi32, #tpu.memory_space<vmem>>[vector<16xi32>], vector<16xi32>,
      %and3A_169 = arith.constant 255 : i32
      %and3A_170 = vector.broadcast %and3A_169 : i32 to vector<16xi32>
      %and3A_171 = arith.andi %gather3A_167, %and3A_170 : vector<16xi32>
      %shift_left3A_172 = arith.constant 4 : i32
      %shift_left3A_173 = vector.broadcast %shift_left3A_172 : i32 to vector<16xi32>
      %shift_left3A_174 = arith.shli %and3A_171, %shift_left3A_173 : vector<16xi32>
      %shift_right_logical3A_175 = arith.constant 8 : i32
      %shift_right_logical3A_176 = vector.broadcast %shift_right_logical3A_175 : i32 to vector<16xi32>
      %shift_right_logical3A_177 = arith.shrui %gather3A_167, %shift_right_logical3A_176 : vector<16xi32>
      %add3A_178 = arith.addi %shift_left3A_174, %shift_right_logical3A_177 : vector<16xi32>
      tpu.vector_store_idx %arg6[%add3A_178], %get3A_151 : memref<4096xi32, #tpu.memory_space<vmem>>[vector<16xi32>], vector<16xi32>,
      tpu.vector_store_idx %arg7[%add3A_178], %get3A_156 : memref<4096xi32, #tpu.memory_space<vmem>>[vector<16xi32>], vector<16xi32>,
    }
    %scan3A_61 = arith.constant 256 : i32
    %scan3A_62 = arith.constant 0 : i32
    %scan3A_63 = arith.constant 0 : i32
    %scan3A_64 = arith.constant 256 : i32
    %scan3A_65 = arith.addi %scan3A_63, %scan3A_64 : i32
    %scan3A_66 = arith.constant 4 : i32
    scf.for %scan3A_118 = %scan3A_63 to %scan3A_65 step %scan3A_66  : i32 {
      %mul3A_119 = arith.constant 16 : i32
      %mul3A_120 = arith.muli %scan3A_118, %mul3A_119 : i32
      %multiple_of3A = tpu.assume_multiple %mul3A_120, 16 : i32
      %swap3A = arith.index_cast %multiple_of3A : i32 to index
      %swap3A_121 = tpu.vector_load %arg10[%swap3A] {strides = array<i32>} : memref<4096xi32, #tpu.memory_space<vmem>>, vector<16xi32>,
      tpu.vector_store %arg10[%swap3A], %broadcast_in_dim3A_6 {strides = array<i32>} : memref<4096xi32, #tpu.memory_space<vmem>>, vector<16xi32>,
      %scan3A_122 = arith.constant 1 : i32
      %scan3A_123 = arith.addi %scan3A_118, %scan3A_122 : i32
      %mul3A_124 = arith.constant 16 : i32
      %mul3A_125 = arith.muli %scan3A_123, %mul3A_124 : i32
      %multiple_of3A_126 = tpu.assume_multiple %mul3A_125, 16 : i32
      %swap3A_127 = arith.index_cast %multiple_of3A_126 : i32 to index
      %swap3A_128 = tpu.vector_load %arg10[%swap3A_127] {strides = array<i32>} : memref<4096xi32, #tpu.memory_space<vmem>>, vector<16xi32>,
      tpu.vector_store %arg10[%swap3A_127], %broadcast_in_dim3A_6 {strides = array<i32>} : memref<4096xi32, #tpu.memory_space<vmem>>, vector<16xi32>,
      %scan3A_129 = arith.constant 2 : i32
      %scan3A_130 = arith.addi %scan3A_118, %scan3A_129 : i32
      %mul3A_131 = arith.constant 16 : i32
      %mul3A_132 = arith.muli %scan3A_130, %mul3A_131 : i32
      %multiple_of3A_133 = tpu.assume_multiple %mul3A_132, 16 : i32
      %swap3A_134 = arith.index_cast %multiple_of3A_133 : i32 to index
      %swap3A_135 = tpu.vector_load %arg10[%swap3A_134] {strides = array<i32>} : memref<4096xi32, #tpu.memory_space<vmem>>, vector<16xi32>,
      tpu.vector_store %arg10[%swap3A_134], %broadcast_in_dim3A_6 {strides = array<i32>} : memref<4096xi32, #tpu.memory_space<vmem>>, vector<16xi32>,
      %scan3A_136 = arith.constant 3 : i32
      %scan3A_137 = arith.addi %scan3A_118, %scan3A_136 : i32
      %mul3A_138 = arith.constant 16 : i32
      %mul3A_139 = arith.muli %scan3A_137, %mul3A_138 : i32
      %multiple_of3A_140 = tpu.assume_multiple %mul3A_139, 16 : i32
      %swap3A_141 = arith.index_cast %multiple_of3A_140 : i32 to index
      %swap3A_142 = tpu.vector_load %arg10[%swap3A_141] {strides = array<i32>} : memref<4096xi32, #tpu.memory_space<vmem>>, vector<16xi32>,
      tpu.vector_store %arg10[%swap3A_141], %broadcast_in_dim3A_6 {strides = array<i32>} : memref<4096xi32, #tpu.memory_space<vmem>>, vector<16xi32>,
    }
    %scan3A_67 = arith.constant 256 : i32
    %scan3A_68 = arith.constant 0 : i32
    %scan3A_69 = arith.constant 0 : i32
    %scan3A_70 = arith.constant 256 : i32
    %scan3A_71 = arith.addi %scan3A_69, %scan3A_70 : i32
    %scan3A_72 = arith.constant 2 : i32
    scf.for %scan3A_118 = %scan3A_69 to %scan3A_71 step %scan3A_72  : i32 {
      %mul3A_119 = arith.constant 16 : i32
      %mul3A_120 = arith.muli %scan3A_118, %mul3A_119 : i32
      %multiple_of3A = tpu.assume_multiple %mul3A_120, 16 : i32
      %get3A = arith.index_cast %multiple_of3A : i32 to index
      %get3A_121 = tpu.vector_load %arg6[%get3A] {strides = array<i32>} : memref<4096xi32, #tpu.memory_space<vmem>>, vector<16xi32>,
      %shift_right_logical3A = arith.constant 16 : i32
      %shift_right_logical3A_122 = vector.broadcast %shift_right_logical3A : i32 to vector<16xi32>
      %shift_right_logical3A_123 = arith.shrui %get3A_121, %shift_right_logical3A_122 : vector<16xi32>
      %and3A = arith.constant 255 : i32
      %and3A_124 = vector.broadcast %and3A : i32 to vector<16xi32>
      %and3A_125 = arith.andi %shift_right_logical3A_123, %and3A_124 : vector<16xi32>
      %shift_left3A = arith.constant 4 : i32
      %shift_left3A_126 = vector.broadcast %shift_left3A : i32 to vector<16xi32>
      %shift_left3A_127 = arith.shli %and3A_125, %shift_left3A_126 : vector<16xi32>
      %add3A_128 = arith.addi %shift_left3A_127, %iota3A : vector<16xi32>
      tpu.vector_store_idx %arg10[%add3A_128], %broadcast_in_dim3A_4 {add = true} : memref<4096xi32, #tpu.memory_space<vmem>>[vector<16xi32>], vector<16xi32>,
      %scan3A_129 = arith.constant 1 : i32
      %scan3A_130 = arith.addi %scan3A_118, %scan3A_129 : i32
      %mul3A_131 = arith.constant 16 : i32
      %mul3A_132 = arith.muli %scan3A_130, %mul3A_131 : i32
      %multiple_of3A_133 = tpu.assume_multiple %mul3A_132, 16 : i32
      %get3A_134 = arith.index_cast %multiple_of3A_133 : i32 to index
      %get3A_135 = tpu.vector_load %arg6[%get3A_134] {strides = array<i32>} : memref<4096xi32, #tpu.memory_space<vmem>>, vector<16xi32>,
      %shift_right_logical3A_136 = arith.constant 16 : i32
      %shift_right_logical3A_137 = vector.broadcast %shift_right_logical3A_136 : i32 to vector<16xi32>
      %shift_right_logical3A_138 = arith.shrui %get3A_135, %shift_right_logical3A_137 : vector<16xi32>
      %and3A_139 = arith.constant 255 : i32
      %and3A_140 = vector.broadcast %and3A_139 : i32 to vector<16xi32>
      %and3A_141 = arith.andi %shift_right_logical3A_138, %and3A_140 : vector<16xi32>
      %shift_left3A_142 = arith.constant 4 : i32
      %shift_left3A_143 = vector.broadcast %shift_left3A_142 : i32 to vector<16xi32>
      %shift_left3A_144 = arith.shli %and3A_141, %shift_left3A_143 : vector<16xi32>
      %add3A_145 = arith.addi %shift_left3A_144, %iota3A : vector<16xi32>
      tpu.vector_store_idx %arg10[%add3A_145], %broadcast_in_dim3A_4 {add = true} : memref<4096xi32, #tpu.memory_space<vmem>>[vector<16xi32>], vector<16xi32>,
    }
    %scan3A_73 = arith.constant 256 : i32
    %scan3A_74 = arith.constant 0 : i32
    %scan3A_75 = arith.constant 0 : i32
    %scan3A_76 = arith.constant 256 : i32
    %scan3A_77 = arith.addi %scan3A_75, %scan3A_76 : i32
    %scan3A_78 = arith.constant 2 : i32
    %scan3A_79 = scf.for %scan3A_118 = %scan3A_75 to %scan3A_77 step %scan3A_78 iter_args(%scan3A_119 = %scan3A_74) -> (i32)  : i32 {
      %mul3A_120 = arith.constant 16 : i32
      %mul3A_121 = arith.muli %scan3A_118, %mul3A_120 : i32
      %multiple_of3A = tpu.assume_multiple %mul3A_121, 16 : i32
      %get3A = arith.index_cast %multiple_of3A : i32 to index
      %get3A_122 = tpu.vector_load %arg10[%get3A] {strides = array<i32>} : memref<4096xi32, #tpu.memory_space<vmem>>, vector<16xi32>,
      %broadcast_in_dim3A_123 = arith.constant true
      %broadcast_in_dim3A_124 = vector.broadcast %broadcast_in_dim3A_123 : i1 to vector<16xi1>
      %masked_cumsum3A = tpu.scan <sum>, %get3A_122 masked %broadcast_in_dim3A_124 : vector<16xi32>, vector<16xi1> -> vector<16xi32>
      %add3A_125 = vector.broadcast %scan3A_119 : i32 to vector<16xi32>
      %add3A_126 = arith.addi %add3A_125, %masked_cumsum3A : vector<16xi32>
      %sub3A = arith.subi %add3A_126, %get3A_122 : vector<16xi32>
      %mul3A_127 = arith.constant 16 : i32
      %mul3A_128 = arith.muli %scan3A_118, %mul3A_127 : i32
      %multiple_of3A_129 = tpu.assume_multiple %mul3A_128, 16 : i32
      %swap3A = arith.index_cast %multiple_of3A_129 : i32 to index
      %swap3A_130 = tpu.vector_load %arg10[%swap3A] {strides = array<i32>} : memref<4096xi32, #tpu.memory_space<vmem>>, vector<16xi32>,
      tpu.vector_store %arg10[%swap3A], %sub3A {strides = array<i32>} : memref<4096xi32, #tpu.memory_space<vmem>>, vector<16xi32>,
      %reduce_sum3A = arith.constant true
      %reduce_sum3A_131 = vector.broadcast %reduce_sum3A : i1 to vector<16xi1>
      %reduce_sum3A_132 = tpu.scan <sum>, %get3A_122 masked %reduce_sum3A_131 : vector<16xi32>, vector<16xi1> -> vector<16xi32>
      %reduce_sum3A_133 = vector.extract %reduce_sum3A_132[15] : i32 from vector<16xi32>
      %add3A_134 = arith.addi %scan3A_119, %reduce_sum3A_133 : i32
      %scan3A_135 = arith.constant 1 : i32
      %scan3A_136 = arith.addi %scan3A_118, %scan3A_135 : i32
      %mul3A_137 = arith.constant 16 : i32
      %mul3A_138 = arith.muli %scan3A_136, %mul3A_137 : i32
      %multiple_of3A_139 = tpu.assume_multiple %mul3A_138, 16 : i32
      %get3A_140 = arith.index_cast %multiple_of3A_139 : i32 to index
      %get3A_141 = tpu.vector_load %arg10[%get3A_140] {strides = array<i32>} : memref<4096xi32, #tpu.memory_space<vmem>>, vector<16xi32>,
      %broadcast_in_dim3A_142 = arith.constant true
      %broadcast_in_dim3A_143 = vector.broadcast %broadcast_in_dim3A_142 : i1 to vector<16xi1>
      %masked_cumsum3A_144 = tpu.scan <sum>, %get3A_141 masked %broadcast_in_dim3A_143 : vector<16xi32>, vector<16xi1> -> vector<16xi32>
      %add3A_145 = vector.broadcast %add3A_134 : i32 to vector<16xi32>
      %add3A_146 = arith.addi %add3A_145, %masked_cumsum3A_144 : vector<16xi32>
      %sub3A_147 = arith.subi %add3A_146, %get3A_141 : vector<16xi32>
      %mul3A_148 = arith.constant 16 : i32
      %mul3A_149 = arith.muli %scan3A_136, %mul3A_148 : i32
      %multiple_of3A_150 = tpu.assume_multiple %mul3A_149, 16 : i32
      %swap3A_151 = arith.index_cast %multiple_of3A_150 : i32 to index
      %swap3A_152 = tpu.vector_load %arg10[%swap3A_151] {strides = array<i32>} : memref<4096xi32, #tpu.memory_space<vmem>>, vector<16xi32>,
      tpu.vector_store %arg10[%swap3A_151], %sub3A_147 {strides = array<i32>} : memref<4096xi32, #tpu.memory_space<vmem>>, vector<16xi32>,
      %reduce_sum3A_153 = arith.constant true
      %reduce_sum3A_154 = vector.broadcast %reduce_sum3A_153 : i1 to vector<16xi1>
      %reduce_sum3A_155 = tpu.scan <sum>, %get3A_141 masked %reduce_sum3A_154 : vector<16xi32>, vector<16xi1> -> vector<16xi32>
      %reduce_sum3A_156 = vector.extract %reduce_sum3A_155[15] : i32 from vector<16xi32>
      %add3A_157 = arith.addi %add3A_134, %reduce_sum3A_156 : i32
      scf.yield %add3A_157 : i32
    }
    %scan3A_80 = arith.constant 256 : i32
    %scan3A_81 = arith.constant 0 : i32
    %scan3A_82 = arith.constant 0 : i32
    %scan3A_83 = arith.constant 256 : i32
    %scan3A_84 = arith.addi %scan3A_82, %scan3A_83 : i32
    %scan3A_85 = arith.constant 2 : i32
    scf.for %scan3A_118 = %scan3A_82 to %scan3A_84 step %scan3A_85  : i32 {
      %mul3A_119 = arith.constant 16 : i32
      %mul3A_120 = arith.muli %scan3A_118, %mul3A_119 : i32
      %multiple_of3A = tpu.assume_multiple %mul3A_120, 16 : i32
      %get3A = arith.index_cast %multiple_of3A : i32 to index
      %get3A_121 = tpu.vector_load %arg6[%get3A] {strides = array<i32>} : memref<4096xi32, #tpu.memory_space<vmem>>, vector<16xi32>,
      %mul3A_122 = arith.constant 16 : i32
      %mul3A_123 = arith.muli %scan3A_118, %mul3A_122 : i32
      %multiple_of3A_124 = tpu.assume_multiple %mul3A_123, 16 : i32
      %get3A_125 = arith.index_cast %multiple_of3A_124 : i32 to index
      %get3A_126 = tpu.vector_load %arg7[%get3A_125] {strides = array<i32>} : memref<4096xi32, #tpu.memory_space<vmem>>, vector<16xi32>,
      %shift_right_logical3A = arith.constant 16 : i32
      %shift_right_logical3A_127 = vector.broadcast %shift_right_logical3A : i32 to vector<16xi32>
      %shift_right_logical3A_128 = arith.shrui %get3A_121, %shift_right_logical3A_127 : vector<16xi32>
      %and3A = arith.constant 255 : i32
      %and3A_129 = vector.broadcast %and3A : i32 to vector<16xi32>
      %and3A_130 = arith.andi %shift_right_logical3A_128, %and3A_129 : vector<16xi32>
      %shift_left3A = arith.constant 4 : i32
      %shift_left3A_131 = vector.broadcast %shift_left3A : i32 to vector<16xi32>
      %shift_left3A_132 = arith.shli %and3A_130, %shift_left3A_131 : vector<16xi32>
      %add3A_133 = arith.addi %shift_left3A_132, %iota3A : vector<16xi32>
      %gather3A = tpu.vector_load_idx %arg10[%add3A_133] : memref<4096xi32, #tpu.memory_space<vmem>>[vector<16xi32>], vector<16xi32>,
      %add3A_134 = arith.addi %gather3A, %broadcast_in_dim3A_4 : vector<16xi32>
      tpu.vector_store_idx %arg10[%add3A_133], %add3A_134 : memref<4096xi32, #tpu.memory_space<vmem>>[vector<16xi32>], vector<16xi32>,
      %and3A_135 = arith.constant 255 : i32
      %and3A_136 = vector.broadcast %and3A_135 : i32 to vector<16xi32>
      %and3A_137 = arith.andi %gather3A, %and3A_136 : vector<16xi32>
      %shift_left3A_138 = arith.constant 4 : i32
      %shift_left3A_139 = vector.broadcast %shift_left3A_138 : i32 to vector<16xi32>
      %shift_left3A_140 = arith.shli %and3A_137, %shift_left3A_139 : vector<16xi32>
      %shift_right_logical3A_141 = arith.constant 8 : i32
      %shift_right_logical3A_142 = vector.broadcast %shift_right_logical3A_141 : i32 to vector<16xi32>
      %shift_right_logical3A_143 = arith.shrui %gather3A, %shift_right_logical3A_142 : vector<16xi32>
      %add3A_144 = arith.addi %shift_left3A_140, %shift_right_logical3A_143 : vector<16xi32>
      tpu.vector_store_idx %arg8[%add3A_144], %get3A_121 : memref<4096xi32, #tpu.memory_space<vmem>>[vector<16xi32>], vector<16xi32>,
      tpu.vector_store_idx %arg9[%add3A_144], %get3A_126 : memref<4096xi32, #tpu.memory_space<vmem>>[vector<16xi32>], vector<16xi32>,
      %scan3A_145 = arith.constant 1 : i32
      %scan3A_146 = arith.addi %scan3A_118, %scan3A_145 : i32
      %mul3A_147 = arith.constant 16 : i32
      %mul3A_148 = arith.muli %scan3A_146, %mul3A_147 : i32
      %multiple_of3A_149 = tpu.assume_multiple %mul3A_148, 16 : i32
      %get3A_150 = arith.index_cast %multiple_of3A_149 : i32 to index
      %get3A_151 = tpu.vector_load %arg6[%get3A_150] {strides = array<i32>} : memref<4096xi32, #tpu.memory_space<vmem>>, vector<16xi32>,
      %mul3A_152 = arith.constant 16 : i32
      %mul3A_153 = arith.muli %scan3A_146, %mul3A_152 : i32
      %multiple_of3A_154 = tpu.assume_multiple %mul3A_153, 16 : i32
      %get3A_155 = arith.index_cast %multiple_of3A_154 : i32 to index
      %get3A_156 = tpu.vector_load %arg7[%get3A_155] {strides = array<i32>} : memref<4096xi32, #tpu.memory_space<vmem>>, vector<16xi32>,
      %shift_right_logical3A_157 = arith.constant 16 : i32
      %shift_right_logical3A_158 = vector.broadcast %shift_right_logical3A_157 : i32 to vector<16xi32>
      %shift_right_logical3A_159 = arith.shrui %get3A_151, %shift_right_logical3A_158 : vector<16xi32>
      %and3A_160 = arith.constant 255 : i32
      %and3A_161 = vector.broadcast %and3A_160 : i32 to vector<16xi32>
      %and3A_162 = arith.andi %shift_right_logical3A_159, %and3A_161 : vector<16xi32>
      %shift_left3A_163 = arith.constant 4 : i32
      %shift_left3A_164 = vector.broadcast %shift_left3A_163 : i32 to vector<16xi32>
      %shift_left3A_165 = arith.shli %and3A_162, %shift_left3A_164 : vector<16xi32>
      %add3A_166 = arith.addi %shift_left3A_165, %iota3A : vector<16xi32>
      %gather3A_167 = tpu.vector_load_idx %arg10[%add3A_166] : memref<4096xi32, #tpu.memory_space<vmem>>[vector<16xi32>], vector<16xi32>,
      %add3A_168 = arith.addi %gather3A_167, %broadcast_in_dim3A_4 : vector<16xi32>
      tpu.vector_store_idx %arg10[%add3A_166], %add3A_168 : memref<4096xi32, #tpu.memory_space<vmem>>[vector<16xi32>], vector<16xi32>,
      %and3A_169 = arith.constant 255 : i32
      %and3A_170 = vector.broadcast %and3A_169 : i32 to vector<16xi32>
      %and3A_171 = arith.andi %gather3A_167, %and3A_170 : vector<16xi32>
      %shift_left3A_172 = arith.constant 4 : i32
      %shift_left3A_173 = vector.broadcast %shift_left3A_172 : i32 to vector<16xi32>
      %shift_left3A_174 = arith.shli %and3A_171, %shift_left3A_173 : vector<16xi32>
      %shift_right_logical3A_175 = arith.constant 8 : i32
      %shift_right_logical3A_176 = vector.broadcast %shift_right_logical3A_175 : i32 to vector<16xi32>
      %shift_right_logical3A_177 = arith.shrui %gather3A_167, %shift_right_logical3A_176 : vector<16xi32>
      %add3A_178 = arith.addi %shift_left3A_174, %shift_right_logical3A_177 : vector<16xi32>
      tpu.vector_store_idx %arg8[%add3A_178], %get3A_151 : memref<4096xi32, #tpu.memory_space<vmem>>[vector<16xi32>], vector<16xi32>,
      tpu.vector_store_idx %arg9[%add3A_178], %get3A_156 : memref<4096xi32, #tpu.memory_space<vmem>>[vector<16xi32>], vector<16xi32>,
    }
    %scan3A_86 = arith.constant 256 : i32
    %scan3A_87 = arith.constant 0 : i32
    %scan3A_88 = arith.constant 0 : i32
    %scan3A_89 = arith.constant 256 : i32
    %scan3A_90 = arith.addi %scan3A_88, %scan3A_89 : i32
    %scan3A_91 = arith.constant 4 : i32
    scf.for %scan3A_118 = %scan3A_88 to %scan3A_90 step %scan3A_91  : i32 {
      %mul3A_119 = arith.constant 16 : i32
      %mul3A_120 = arith.muli %scan3A_118, %mul3A_119 : i32
      %multiple_of3A = tpu.assume_multiple %mul3A_120, 16 : i32
      %swap3A = arith.index_cast %multiple_of3A : i32 to index
      %swap3A_121 = tpu.vector_load %arg10[%swap3A] {strides = array<i32>} : memref<4096xi32, #tpu.memory_space<vmem>>, vector<16xi32>,
      tpu.vector_store %arg10[%swap3A], %broadcast_in_dim3A_6 {strides = array<i32>} : memref<4096xi32, #tpu.memory_space<vmem>>, vector<16xi32>,
      %scan3A_122 = arith.constant 1 : i32
      %scan3A_123 = arith.addi %scan3A_118, %scan3A_122 : i32
      %mul3A_124 = arith.constant 16 : i32
      %mul3A_125 = arith.muli %scan3A_123, %mul3A_124 : i32
      %multiple_of3A_126 = tpu.assume_multiple %mul3A_125, 16 : i32
      %swap3A_127 = arith.index_cast %multiple_of3A_126 : i32 to index
      %swap3A_128 = tpu.vector_load %arg10[%swap3A_127] {strides = array<i32>} : memref<4096xi32, #tpu.memory_space<vmem>>, vector<16xi32>,
      tpu.vector_store %arg10[%swap3A_127], %broadcast_in_dim3A_6 {strides = array<i32>} : memref<4096xi32, #tpu.memory_space<vmem>>, vector<16xi32>,
      %scan3A_129 = arith.constant 2 : i32
      %scan3A_130 = arith.addi %scan3A_118, %scan3A_129 : i32
      %mul3A_131 = arith.constant 16 : i32
      %mul3A_132 = arith.muli %scan3A_130, %mul3A_131 : i32
      %multiple_of3A_133 = tpu.assume_multiple %mul3A_132, 16 : i32
      %swap3A_134 = arith.index_cast %multiple_of3A_133 : i32 to index
      %swap3A_135 = tpu.vector_load %arg10[%swap3A_134] {strides = array<i32>} : memref<4096xi32, #tpu.memory_space<vmem>>, vector<16xi32>,
      tpu.vector_store %arg10[%swap3A_134], %broadcast_in_dim3A_6 {strides = array<i32>} : memref<4096xi32, #tpu.memory_space<vmem>>, vector<16xi32>,
      %scan3A_136 = arith.constant 3 : i32
      %scan3A_137 = arith.addi %scan3A_118, %scan3A_136 : i32
      %mul3A_138 = arith.constant 16 : i32
      %mul3A_139 = arith.muli %scan3A_137, %mul3A_138 : i32
      %multiple_of3A_140 = tpu.assume_multiple %mul3A_139, 16 : i32
      %swap3A_141 = arith.index_cast %multiple_of3A_140 : i32 to index
      %swap3A_142 = tpu.vector_load %arg10[%swap3A_141] {strides = array<i32>} : memref<4096xi32, #tpu.memory_space<vmem>>, vector<16xi32>,
      tpu.vector_store %arg10[%swap3A_141], %broadcast_in_dim3A_6 {strides = array<i32>} : memref<4096xi32, #tpu.memory_space<vmem>>, vector<16xi32>,
    }
    %scan3A_92 = arith.constant 256 : i32
    %scan3A_93 = arith.constant 0 : i32
    %scan3A_94 = arith.constant 0 : i32
    %scan3A_95 = arith.constant 256 : i32
    %scan3A_96 = arith.addi %scan3A_94, %scan3A_95 : i32
    %scan3A_97 = arith.constant 2 : i32
    scf.for %scan3A_118 = %scan3A_94 to %scan3A_96 step %scan3A_97  : i32 {
      %mul3A_119 = arith.constant 16 : i32
      %mul3A_120 = arith.muli %scan3A_118, %mul3A_119 : i32
      %multiple_of3A = tpu.assume_multiple %mul3A_120, 16 : i32
      %get3A = arith.index_cast %multiple_of3A : i32 to index
      %get3A_121 = tpu.vector_load %arg8[%get3A] {strides = array<i32>} : memref<4096xi32, #tpu.memory_space<vmem>>, vector<16xi32>,
      %shift_right_logical3A = arith.constant 24 : i32
      %shift_right_logical3A_122 = vector.broadcast %shift_right_logical3A : i32 to vector<16xi32>
      %shift_right_logical3A_123 = arith.shrui %get3A_121, %shift_right_logical3A_122 : vector<16xi32>
      %and3A = arith.constant 255 : i32
      %and3A_124 = vector.broadcast %and3A : i32 to vector<16xi32>
      %and3A_125 = arith.andi %shift_right_logical3A_123, %and3A_124 : vector<16xi32>
      %shift_left3A = arith.constant 4 : i32
      %shift_left3A_126 = vector.broadcast %shift_left3A : i32 to vector<16xi32>
      %shift_left3A_127 = arith.shli %and3A_125, %shift_left3A_126 : vector<16xi32>
      %add3A_128 = arith.addi %shift_left3A_127, %iota3A : vector<16xi32>
      tpu.vector_store_idx %arg10[%add3A_128], %broadcast_in_dim3A_4 {add = true} : memref<4096xi32, #tpu.memory_space<vmem>>[vector<16xi32>], vector<16xi32>,
      %scan3A_129 = arith.constant 1 : i32
      %scan3A_130 = arith.addi %scan3A_118, %scan3A_129 : i32
      %mul3A_131 = arith.constant 16 : i32
      %mul3A_132 = arith.muli %scan3A_130, %mul3A_131 : i32
      %multiple_of3A_133 = tpu.assume_multiple %mul3A_132, 16 : i32
      %get3A_134 = arith.index_cast %multiple_of3A_133 : i32 to index
      %get3A_135 = tpu.vector_load %arg8[%get3A_134] {strides = array<i32>} : memref<4096xi32, #tpu.memory_space<vmem>>, vector<16xi32>,
      %shift_right_logical3A_136 = arith.constant 24 : i32
      %shift_right_logical3A_137 = vector.broadcast %shift_right_logical3A_136 : i32 to vector<16xi32>
      %shift_right_logical3A_138 = arith.shrui %get3A_135, %shift_right_logical3A_137 : vector<16xi32>
      %and3A_139 = arith.constant 255 : i32
      %and3A_140 = vector.broadcast %and3A_139 : i32 to vector<16xi32>
      %and3A_141 = arith.andi %shift_right_logical3A_138, %and3A_140 : vector<16xi32>
      %shift_left3A_142 = arith.constant 4 : i32
      %shift_left3A_143 = vector.broadcast %shift_left3A_142 : i32 to vector<16xi32>
      %shift_left3A_144 = arith.shli %and3A_141, %shift_left3A_143 : vector<16xi32>
      %add3A_145 = arith.addi %shift_left3A_144, %iota3A : vector<16xi32>
      tpu.vector_store_idx %arg10[%add3A_145], %broadcast_in_dim3A_4 {add = true} : memref<4096xi32, #tpu.memory_space<vmem>>[vector<16xi32>], vector<16xi32>,
    }
    %scan3A_98 = arith.constant 256 : i32
    %scan3A_99 = arith.constant 0 : i32
    %scan3A_100 = arith.constant 0 : i32
    %scan3A_101 = arith.constant 256 : i32
    %scan3A_102 = arith.addi %scan3A_100, %scan3A_101 : i32
    %scan3A_103 = arith.constant 2 : i32
    %scan3A_104 = scf.for %scan3A_118 = %scan3A_100 to %scan3A_102 step %scan3A_103 iter_args(%scan3A_119 = %scan3A_99) -> (i32)  : i32 {
      %mul3A_120 = arith.constant 16 : i32
      %mul3A_121 = arith.muli %scan3A_118, %mul3A_120 : i32
      %multiple_of3A = tpu.assume_multiple %mul3A_121, 16 : i32
      %get3A = arith.index_cast %multiple_of3A : i32 to index
      %get3A_122 = tpu.vector_load %arg10[%get3A] {strides = array<i32>} : memref<4096xi32, #tpu.memory_space<vmem>>, vector<16xi32>,
      %broadcast_in_dim3A_123 = arith.constant true
      %broadcast_in_dim3A_124 = vector.broadcast %broadcast_in_dim3A_123 : i1 to vector<16xi1>
      %masked_cumsum3A = tpu.scan <sum>, %get3A_122 masked %broadcast_in_dim3A_124 : vector<16xi32>, vector<16xi1> -> vector<16xi32>
      %add3A_125 = vector.broadcast %scan3A_119 : i32 to vector<16xi32>
      %add3A_126 = arith.addi %add3A_125, %masked_cumsum3A : vector<16xi32>
      %sub3A = arith.subi %add3A_126, %get3A_122 : vector<16xi32>
      %mul3A_127 = arith.constant 16 : i32
      %mul3A_128 = arith.muli %scan3A_118, %mul3A_127 : i32
      %multiple_of3A_129 = tpu.assume_multiple %mul3A_128, 16 : i32
      %swap3A = arith.index_cast %multiple_of3A_129 : i32 to index
      %swap3A_130 = tpu.vector_load %arg10[%swap3A] {strides = array<i32>} : memref<4096xi32, #tpu.memory_space<vmem>>, vector<16xi32>,
      tpu.vector_store %arg10[%swap3A], %sub3A {strides = array<i32>} : memref<4096xi32, #tpu.memory_space<vmem>>, vector<16xi32>,
      %reduce_sum3A = arith.constant true
      %reduce_sum3A_131 = vector.broadcast %reduce_sum3A : i1 to vector<16xi1>
      %reduce_sum3A_132 = tpu.scan <sum>, %get3A_122 masked %reduce_sum3A_131 : vector<16xi32>, vector<16xi1> -> vector<16xi32>
      %reduce_sum3A_133 = vector.extract %reduce_sum3A_132[15] : i32 from vector<16xi32>
      %add3A_134 = arith.addi %scan3A_119, %reduce_sum3A_133 : i32
      %scan3A_135 = arith.constant 1 : i32
      %scan3A_136 = arith.addi %scan3A_118, %scan3A_135 : i32
      %mul3A_137 = arith.constant 16 : i32
      %mul3A_138 = arith.muli %scan3A_136, %mul3A_137 : i32
      %multiple_of3A_139 = tpu.assume_multiple %mul3A_138, 16 : i32
      %get3A_140 = arith.index_cast %multiple_of3A_139 : i32 to index
      %get3A_141 = tpu.vector_load %arg10[%get3A_140] {strides = array<i32>} : memref<4096xi32, #tpu.memory_space<vmem>>, vector<16xi32>,
      %broadcast_in_dim3A_142 = arith.constant true
      %broadcast_in_dim3A_143 = vector.broadcast %broadcast_in_dim3A_142 : i1 to vector<16xi1>
      %masked_cumsum3A_144 = tpu.scan <sum>, %get3A_141 masked %broadcast_in_dim3A_143 : vector<16xi32>, vector<16xi1> -> vector<16xi32>
      %add3A_145 = vector.broadcast %add3A_134 : i32 to vector<16xi32>
      %add3A_146 = arith.addi %add3A_145, %masked_cumsum3A_144 : vector<16xi32>
      %sub3A_147 = arith.subi %add3A_146, %get3A_141 : vector<16xi32>
      %mul3A_148 = arith.constant 16 : i32
      %mul3A_149 = arith.muli %scan3A_136, %mul3A_148 : i32
      %multiple_of3A_150 = tpu.assume_multiple %mul3A_149, 16 : i32
      %swap3A_151 = arith.index_cast %multiple_of3A_150 : i32 to index
      %swap3A_152 = tpu.vector_load %arg10[%swap3A_151] {strides = array<i32>} : memref<4096xi32, #tpu.memory_space<vmem>>, vector<16xi32>,
      tpu.vector_store %arg10[%swap3A_151], %sub3A_147 {strides = array<i32>} : memref<4096xi32, #tpu.memory_space<vmem>>, vector<16xi32>,
      %reduce_sum3A_153 = arith.constant true
      %reduce_sum3A_154 = vector.broadcast %reduce_sum3A_153 : i1 to vector<16xi1>
      %reduce_sum3A_155 = tpu.scan <sum>, %get3A_141 masked %reduce_sum3A_154 : vector<16xi32>, vector<16xi1> -> vector<16xi32>
      %reduce_sum3A_156 = vector.extract %reduce_sum3A_155[15] : i32 from vector<16xi32>
      %add3A_157 = arith.addi %add3A_134, %reduce_sum3A_156 : i32
      scf.yield %add3A_157 : i32
    }
    %scan3A_105 = arith.constant 256 : i32
    %scan3A_106 = arith.constant 0 : i32
    %scan3A_107 = arith.constant 0 : i32
    %scan3A_108 = arith.constant 256 : i32
    %scan3A_109 = arith.addi %scan3A_107, %scan3A_108 : i32
    %scan3A_110 = arith.constant 2 : i32
    scf.for %scan3A_118 = %scan3A_107 to %scan3A_109 step %scan3A_110  : i32 {
      %mul3A_119 = arith.constant 16 : i32
      %mul3A_120 = arith.muli %scan3A_118, %mul3A_119 : i32
      %multiple_of3A = tpu.assume_multiple %mul3A_120, 16 : i32
      %get3A = arith.index_cast %multiple_of3A : i32 to index
      %get3A_121 = tpu.vector_load %arg8[%get3A] {strides = array<i32>} : memref<4096xi32, #tpu.memory_space<vmem>>, vector<16xi32>,
      %mul3A_122 = arith.constant 16 : i32
      %mul3A_123 = arith.muli %scan3A_118, %mul3A_122 : i32
      %multiple_of3A_124 = tpu.assume_multiple %mul3A_123, 16 : i32
      %get3A_125 = arith.index_cast %multiple_of3A_124 : i32 to index
      %get3A_126 = tpu.vector_load %arg9[%get3A_125] {strides = array<i32>} : memref<4096xi32, #tpu.memory_space<vmem>>, vector<16xi32>,
      %shift_right_logical3A = arith.constant 24 : i32
      %shift_right_logical3A_127 = vector.broadcast %shift_right_logical3A : i32 to vector<16xi32>
      %shift_right_logical3A_128 = arith.shrui %get3A_121, %shift_right_logical3A_127 : vector<16xi32>
      %and3A = arith.constant 255 : i32
      %and3A_129 = vector.broadcast %and3A : i32 to vector<16xi32>
      %and3A_130 = arith.andi %shift_right_logical3A_128, %and3A_129 : vector<16xi32>
      %shift_left3A = arith.constant 4 : i32
      %shift_left3A_131 = vector.broadcast %shift_left3A : i32 to vector<16xi32>
      %shift_left3A_132 = arith.shli %and3A_130, %shift_left3A_131 : vector<16xi32>
      %add3A_133 = arith.addi %shift_left3A_132, %iota3A : vector<16xi32>
      %gather3A = tpu.vector_load_idx %arg10[%add3A_133] : memref<4096xi32, #tpu.memory_space<vmem>>[vector<16xi32>], vector<16xi32>,
      %add3A_134 = arith.addi %gather3A, %broadcast_in_dim3A_4 : vector<16xi32>
      tpu.vector_store_idx %arg10[%add3A_133], %add3A_134 : memref<4096xi32, #tpu.memory_space<vmem>>[vector<16xi32>], vector<16xi32>,
      %and3A_135 = arith.constant 255 : i32
      %and3A_136 = vector.broadcast %and3A_135 : i32 to vector<16xi32>
      %and3A_137 = arith.andi %gather3A, %and3A_136 : vector<16xi32>
      %shift_left3A_138 = arith.constant 4 : i32
      %shift_left3A_139 = vector.broadcast %shift_left3A_138 : i32 to vector<16xi32>
      %shift_left3A_140 = arith.shli %and3A_137, %shift_left3A_139 : vector<16xi32>
      %shift_right_logical3A_141 = arith.constant 8 : i32
      %shift_right_logical3A_142 = vector.broadcast %shift_right_logical3A_141 : i32 to vector<16xi32>
      %shift_right_logical3A_143 = arith.shrui %gather3A, %shift_right_logical3A_142 : vector<16xi32>
      %add3A_144 = arith.addi %shift_left3A_140, %shift_right_logical3A_143 : vector<16xi32>
      tpu.vector_store_idx %arg6[%add3A_144], %get3A_121 : memref<4096xi32, #tpu.memory_space<vmem>>[vector<16xi32>], vector<16xi32>,
      tpu.vector_store_idx %arg7[%add3A_144], %get3A_126 : memref<4096xi32, #tpu.memory_space<vmem>>[vector<16xi32>], vector<16xi32>,
      %scan3A_145 = arith.constant 1 : i32
      %scan3A_146 = arith.addi %scan3A_118, %scan3A_145 : i32
      %mul3A_147 = arith.constant 16 : i32
      %mul3A_148 = arith.muli %scan3A_146, %mul3A_147 : i32
      %multiple_of3A_149 = tpu.assume_multiple %mul3A_148, 16 : i32
      %get3A_150 = arith.index_cast %multiple_of3A_149 : i32 to index
      %get3A_151 = tpu.vector_load %arg8[%get3A_150] {strides = array<i32>} : memref<4096xi32, #tpu.memory_space<vmem>>, vector<16xi32>,
      %mul3A_152 = arith.constant 16 : i32
      %mul3A_153 = arith.muli %scan3A_146, %mul3A_152 : i32
      %multiple_of3A_154 = tpu.assume_multiple %mul3A_153, 16 : i32
      %get3A_155 = arith.index_cast %multiple_of3A_154 : i32 to index
      %get3A_156 = tpu.vector_load %arg9[%get3A_155] {strides = array<i32>} : memref<4096xi32, #tpu.memory_space<vmem>>, vector<16xi32>,
      %shift_right_logical3A_157 = arith.constant 24 : i32
      %shift_right_logical3A_158 = vector.broadcast %shift_right_logical3A_157 : i32 to vector<16xi32>
      %shift_right_logical3A_159 = arith.shrui %get3A_151, %shift_right_logical3A_158 : vector<16xi32>
      %and3A_160 = arith.constant 255 : i32
      %and3A_161 = vector.broadcast %and3A_160 : i32 to vector<16xi32>
      %and3A_162 = arith.andi %shift_right_logical3A_159, %and3A_161 : vector<16xi32>
      %shift_left3A_163 = arith.constant 4 : i32
      %shift_left3A_164 = vector.broadcast %shift_left3A_163 : i32 to vector<16xi32>
      %shift_left3A_165 = arith.shli %and3A_162, %shift_left3A_164 : vector<16xi32>
      %add3A_166 = arith.addi %shift_left3A_165, %iota3A : vector<16xi32>
      %gather3A_167 = tpu.vector_load_idx %arg10[%add3A_166] : memref<4096xi32, #tpu.memory_space<vmem>>[vector<16xi32>], vector<16xi32>,
      %add3A_168 = arith.addi %gather3A_167, %broadcast_in_dim3A_4 : vector<16xi32>
      tpu.vector_store_idx %arg10[%add3A_166], %add3A_168 : memref<4096xi32, #tpu.memory_space<vmem>>[vector<16xi32>], vector<16xi32>,
      %and3A_169 = arith.constant 255 : i32
      %and3A_170 = vector.broadcast %and3A_169 : i32 to vector<16xi32>
      %and3A_171 = arith.andi %gather3A_167, %and3A_170 : vector<16xi32>
      %shift_left3A_172 = arith.constant 4 : i32
      %shift_left3A_173 = vector.broadcast %shift_left3A_172 : i32 to vector<16xi32>
      %shift_left3A_174 = arith.shli %and3A_171, %shift_left3A_173 : vector<16xi32>
      %shift_right_logical3A_175 = arith.constant 8 : i32
      %shift_right_logical3A_176 = vector.broadcast %shift_right_logical3A_175 : i32 to vector<16xi32>
      %shift_right_logical3A_177 = arith.shrui %gather3A_167, %shift_right_logical3A_176 : vector<16xi32>
      %add3A_178 = arith.addi %shift_left3A_174, %shift_right_logical3A_177 : vector<16xi32>
      tpu.vector_store_idx %arg6[%add3A_178], %get3A_151 : memref<4096xi32, #tpu.memory_space<vmem>>[vector<16xi32>], vector<16xi32>,
      tpu.vector_store_idx %arg7[%add3A_178], %get3A_156 : memref<4096xi32, #tpu.memory_space<vmem>>[vector<16xi32>], vector<16xi32>,
    }
    %scan3A_111 = arith.constant 256 : i32
    %scan3A_112 = arith.constant 0 : i32
    %scan3A_113 = arith.constant 0 : i32
    %scan3A_114 = arith.constant 256 : i32
    %scan3A_115 = arith.addi %scan3A_113, %scan3A_114 : i32
    %scan3A_116 = arith.constant 2 : i32
    scf.for %scan3A_118 = %scan3A_113 to %scan3A_115 step %scan3A_116  : i32 {
      %mul3A_119 = arith.constant 16 : i32
      %mul3A_120 = arith.muli %scan3A_118, %mul3A_119 : i32
      %add3A_121 = vector.broadcast %mul3A_120 : i32 to vector<16xi32>
      %add3A_122 = arith.addi %add3A_121, %iota3A : vector<16xi32>
      %and3A = arith.constant 255 : i32
      %and3A_123 = vector.broadcast %and3A : i32 to vector<16xi32>
      %and3A_124 = arith.andi %add3A_122, %and3A_123 : vector<16xi32>
      %shift_left3A = arith.constant 4 : i32
      %shift_left3A_125 = vector.broadcast %shift_left3A : i32 to vector<16xi32>
      %shift_left3A_126 = arith.shli %and3A_124, %shift_left3A_125 : vector<16xi32>
      %shift_right_logical3A = arith.constant 8 : i32
      %shift_right_logical3A_127 = vector.broadcast %shift_right_logical3A : i32 to vector<16xi32>
      %shift_right_logical3A_128 = arith.shrui %add3A_122, %shift_right_logical3A_127 : vector<16xi32>
      %add3A_129 = arith.addi %shift_left3A_126, %shift_right_logical3A_128 : vector<16xi32>
      %gather3A = tpu.vector_load_idx %arg7[%add3A_129] : memref<4096xi32, #tpu.memory_space<vmem>>[vector<16xi32>], vector<16xi32>,
      %gather3A_130 = tpu.vector_load_idx %arg11[%gather3A] : memref<4096xf32, #tpu.memory_space<vmem>>[vector<16xi32>], vector<16xf32>,
      %mul3A_131 = arith.constant 16 : i32
      %mul3A_132 = arith.muli %scan3A_118, %mul3A_131 : i32
      %multiple_of3A = tpu.assume_multiple %mul3A_132, 16 : i32
      %swap3A = arith.index_cast %multiple_of3A : i32 to index
      %swap3A_133 = tpu.vector_load %arg13[%swap3A] {strides = array<i32>} : memref<4096xf32, #tpu.memory_space<vmem>>, vector<16xf32>,
      tpu.vector_store %arg13[%swap3A], %gather3A_130 {strides = array<i32>} : memref<4096xf32, #tpu.memory_space<vmem>>, vector<16xf32>,
      %gather3A_134 = tpu.vector_load_idx %arg12[%gather3A] : memref<4096xf32, #tpu.memory_space<vmem>>[vector<16xi32>], vector<16xf32>,
      %mul3A_135 = arith.constant 16 : i32
      %mul3A_136 = arith.muli %scan3A_118, %mul3A_135 : i32
      %multiple_of3A_137 = tpu.assume_multiple %mul3A_136, 16 : i32
      %swap3A_138 = arith.index_cast %multiple_of3A_137 : i32 to index
      %swap3A_139 = tpu.vector_load %arg14[%swap3A_138] {strides = array<i32>} : memref<4096xf32, #tpu.memory_space<vmem>>, vector<16xf32>,
      tpu.vector_store %arg14[%swap3A_138], %gather3A_134 {strides = array<i32>} : memref<4096xf32, #tpu.memory_space<vmem>>, vector<16xf32>,
      %scan3A_140 = arith.constant 1 : i32
      %scan3A_141 = arith.addi %scan3A_118, %scan3A_140 : i32
      %mul3A_142 = arith.constant 16 : i32
      %mul3A_143 = arith.muli %scan3A_141, %mul3A_142 : i32
      %add3A_144 = vector.broadcast %mul3A_143 : i32 to vector<16xi32>
      %add3A_145 = arith.addi %add3A_144, %iota3A : vector<16xi32>
      %and3A_146 = arith.constant 255 : i32
      %and3A_147 = vector.broadcast %and3A_146 : i32 to vector<16xi32>
      %and3A_148 = arith.andi %add3A_145, %and3A_147 : vector<16xi32>
      %shift_left3A_149 = arith.constant 4 : i32
      %shift_left3A_150 = vector.broadcast %shift_left3A_149 : i32 to vector<16xi32>
      %shift_left3A_151 = arith.shli %and3A_148, %shift_left3A_150 : vector<16xi32>
      %shift_right_logical3A_152 = arith.constant 8 : i32
      %shift_right_logical3A_153 = vector.broadcast %shift_right_logical3A_152 : i32 to vector<16xi32>
      %shift_right_logical3A_154 = arith.shrui %add3A_145, %shift_right_logical3A_153 : vector<16xi32>
      %add3A_155 = arith.addi %shift_left3A_151, %shift_right_logical3A_154 : vector<16xi32>
      %gather3A_156 = tpu.vector_load_idx %arg7[%add3A_155] : memref<4096xi32, #tpu.memory_space<vmem>>[vector<16xi32>], vector<16xi32>,
      %gather3A_157 = tpu.vector_load_idx %arg11[%gather3A_156] : memref<4096xf32, #tpu.memory_space<vmem>>[vector<16xi32>], vector<16xf32>,
      %mul3A_158 = arith.constant 16 : i32
      %mul3A_159 = arith.muli %scan3A_141, %mul3A_158 : i32
      %multiple_of3A_160 = tpu.assume_multiple %mul3A_159, 16 : i32
      %swap3A_161 = arith.index_cast %multiple_of3A_160 : i32 to index
      %swap3A_162 = tpu.vector_load %arg13[%swap3A_161] {strides = array<i32>} : memref<4096xf32, #tpu.memory_space<vmem>>, vector<16xf32>,
      tpu.vector_store %arg13[%swap3A_161], %gather3A_157 {strides = array<i32>} : memref<4096xf32, #tpu.memory_space<vmem>>, vector<16xf32>,
      %gather3A_163 = tpu.vector_load_idx %arg12[%gather3A_156] : memref<4096xf32, #tpu.memory_space<vmem>>[vector<16xi32>], vector<16xf32>,
      %mul3A_164 = arith.constant 16 : i32
      %mul3A_165 = arith.muli %scan3A_141, %mul3A_164 : i32
      %multiple_of3A_166 = tpu.assume_multiple %mul3A_165, 16 : i32
      %swap3A_167 = arith.index_cast %multiple_of3A_166 : i32 to index
      %swap3A_168 = tpu.vector_load %arg14[%swap3A_167] {strides = array<i32>} : memref<4096xf32, #tpu.memory_space<vmem>>, vector<16xf32>,
      tpu.vector_store %arg14[%swap3A_167], %gather3A_163 {strides = array<i32>} : memref<4096xf32, #tpu.memory_space<vmem>>, vector<16xf32>,
    }
    %scan3A_117 = arith.constant 256 : i32
    "tpu.region"() ({
      %run_scoped3A = tpu.sem_alloc : memref<!tpu.dma_semaphore, #tpu.memory_space<semaphore_mem>>
      %dma_start3A = arith.constant 0 : i32
      %dma_start3A_118 = tpu.memref_slice %arg4[%mul3A_0, %arg1, %dma_start3A] : memref<4x16x4096xf32, #tpu.memory_space<hbm>> -> memref<1x1x4096xf32, #tpu.memory_space<hbm>>
      %dma_start3A_119 = tpu.memref_squeeze %dma_start3A_118 : memref<1x1x4096xf32, #tpu.memory_space<hbm>> -> memref<4096xf32, #tpu.memory_space<hbm>>
      %dma_start3A_120 = arith.constant 0 : i32
      %dma_start3A_121 = tpu.memref_slice %arg4[%mul3A_0, %arg1, %dma_start3A_120] : memref<4x16x4096xf32, #tpu.memory_space<hbm>> -> memref<1x1x4096xf32, #tpu.memory_space<hbm>>
      %dma_start3A_122 = tpu.memref_squeeze %dma_start3A_121 : memref<1x1x4096xf32, #tpu.memory_space<hbm>> -> memref<4096xf32, #tpu.memory_space<hbm>>
      tpu.enqueue_dma source(%arg13 : memref<4096xf32, #tpu.memory_space<vmem>>) target(%dma_start3A_122 : memref<4096xf32, #tpu.memory_space<hbm>>) target_semaphore(%run_scoped3A : memref<!tpu.dma_semaphore, #tpu.memory_space<semaphore_mem>>)
      %dma_wait3A = arith.constant 0 : i32
      %dma_wait3A_123 = tpu.memref_slice %arg4[%mul3A_0, %arg1, %dma_wait3A] : memref<4x16x4096xf32, #tpu.memory_space<hbm>> -> memref<1x1x4096xf32, #tpu.memory_space<hbm>>
      %dma_wait3A_124 = tpu.memref_squeeze %dma_wait3A_123 : memref<1x1x4096xf32, #tpu.memory_space<hbm>> -> memref<4096xf32, #tpu.memory_space<hbm>>
      %dma_wait3A_125 = arith.constant 0 : i32
      %dma_wait3A_126 = tpu.memref_slice %arg4[%mul3A_0, %arg1, %dma_wait3A_125] : memref<4x16x4096xf32, #tpu.memory_space<hbm>> -> memref<1x1x4096xf32, #tpu.memory_space<hbm>>
      %dma_wait3A_127 = tpu.memref_squeeze %dma_wait3A_126 : memref<1x1x4096xf32, #tpu.memory_space<hbm>> -> memref<4096xf32, #tpu.memory_space<hbm>>
      tpu.wait_dma2 semaphore(%run_scoped3A : memref<!tpu.dma_semaphore, #tpu.memory_space<semaphore_mem>>) src(%arg13 : memref<4096xf32, #tpu.memory_space<vmem>>) dst(%dma_wait3A_127 : memref<4096xf32, #tpu.memory_space<hbm>>)
      tpu.yield
    }) : () -> ()
    "tpu.region"() ({
      %run_scoped3A = tpu.sem_alloc : memref<!tpu.dma_semaphore, #tpu.memory_space<semaphore_mem>>
      %dma_start3A = arith.constant 0 : i32
      %dma_start3A_118 = tpu.memref_slice %arg4[%add3A_3, %arg1, %dma_start3A] : memref<4x16x4096xf32, #tpu.memory_space<hbm>> -> memref<1x1x4096xf32, #tpu.memory_space<hbm>>
      %dma_start3A_119 = tpu.memref_squeeze %dma_start3A_118 : memref<1x1x4096xf32, #tpu.memory_space<hbm>> -> memref<4096xf32, #tpu.memory_space<hbm>>
      %dma_start3A_120 = arith.constant 0 : i32
      %dma_start3A_121 = tpu.memref_slice %arg4[%add3A_3, %arg1, %dma_start3A_120] : memref<4x16x4096xf32, #tpu.memory_space<hbm>> -> memref<1x1x4096xf32, #tpu.memory_space<hbm>>
      %dma_start3A_122 = tpu.memref_squeeze %dma_start3A_121 : memref<1x1x4096xf32, #tpu.memory_space<hbm>> -> memref<4096xf32, #tpu.memory_space<hbm>>
      tpu.enqueue_dma source(%arg14 : memref<4096xf32, #tpu.memory_space<vmem>>) target(%dma_start3A_122 : memref<4096xf32, #tpu.memory_space<hbm>>) target_semaphore(%run_scoped3A : memref<!tpu.dma_semaphore, #tpu.memory_space<semaphore_mem>>)
      %dma_wait3A = arith.constant 0 : i32
      %dma_wait3A_123 = tpu.memref_slice %arg4[%add3A_3, %arg1, %dma_wait3A] : memref<4x16x4096xf32, #tpu.memory_space<hbm>> -> memref<1x1x4096xf32, #tpu.memory_space<hbm>>
      %dma_wait3A_124 = tpu.memref_squeeze %dma_wait3A_123 : memref<1x1x4096xf32, #tpu.memory_space<hbm>> -> memref<4096xf32, #tpu.memory_space<hbm>>
      %dma_wait3A_125 = arith.constant 0 : i32
      %dma_wait3A_126 = tpu.memref_slice %arg4[%add3A_3, %arg1, %dma_wait3A_125] : memref<4x16x4096xf32, #tpu.memory_space<hbm>> -> memref<1x1x4096xf32, #tpu.memory_space<hbm>>
      %dma_wait3A_127 = tpu.memref_squeeze %dma_wait3A_126 : memref<1x1x4096xf32, #tpu.memory_space<hbm>> -> memref<4096xf32, #tpu.memory_space<hbm>>
      tpu.wait_dma2 semaphore(%run_scoped3A : memref<!tpu.dma_semaphore, #tpu.memory_space<semaphore_mem>>) src(%arg14 : memref<4096xf32, #tpu.memory_space<vmem>>) dst(%dma_wait3A_127 : memref<4096xf32, #tpu.memory_space<hbm>>)
      tpu.yield
    }) : () -> ()
    return
  }
}

module attributes {stable_mosaic.version = 14 : i64} {
  func.func @_keys_body(%arg0: memref<16x4096xf32, #tpu.memory_space<vmem>>, %arg1: memref<16x4096xf32, #tpu.memory_space<vmem>>, %arg2: memref<16x4096xf32, #tpu.memory_space<vmem>>, %arg3: memref<16x4096xi32, #tpu.memory_space<vmem>>) attributes {dimension_semantics = [], scalar_prefetch = 0 : i64, scratch_operands = 0 : i64, tpu.core_type = #tpu.core_type<tc>} {
    %get3A = arith.constant 0 : index
    %get3A_0 = arith.constant 0 : index
    %get3A_1 = vector.load %arg0[%get3A, %get3A_0] : memref<16x4096xf32, #tpu.memory_space<vmem>>, vector<16x4096xf32>
    %get3A_2 = arith.constant 0 : index
    %get3A_3 = arith.constant 0 : index
    %get3A_4 = vector.load %arg1[%get3A_2, %get3A_3] : memref<16x4096xf32, #tpu.memory_space<vmem>>, vector<16x4096xf32>
    %get3A_5 = arith.constant 0 : index
    %get3A_6 = arith.constant 0 : index
    %get3A_7 = vector.load %arg2[%get3A_5, %get3A_6] : memref<16x4096xf32, #tpu.memory_space<vmem>>, vector<16x4096xf32>
    %mul3A = arith.mulf %get3A_1, %get3A_1 : vector<16x4096xf32>
    %mul3A_8 = arith.mulf %get3A_4, %get3A_4 : vector<16x4096xf32>
    %add3A = arith.addf %mul3A, %mul3A_8 : vector<16x4096xf32>
    %mul3A_9 = arith.mulf %get3A_7, %get3A_7 : vector<16x4096xf32>
    %add3A_10 = arith.addf %add3A, %mul3A_9 : vector<16x4096xf32>
    %sqrt3A = math.sqrt %add3A_10 : vector<16x4096xf32>
    %bitcast_convert_type3A = tpu.bitcast %sqrt3A : vector<16x4096xf32> -> vector<16x4096xi32>
    %xor3A = arith.constant -1 : i32
    %xor3A_11 = vector.broadcast %xor3A : i32 to vector<16x4096xi32>
    %xor3A_12 = arith.xori %bitcast_convert_type3A, %xor3A_11 : vector<16x4096xi32>
    %swap3A = arith.constant 0 : index
    %swap3A_13 = arith.constant 0 : index
    %swap3A_14 = vector.load %arg3[%swap3A, %swap3A_13] : memref<16x4096xi32, #tpu.memory_space<vmem>>, vector<16x4096xi32>
    tpu.vector_store %arg3[%swap3A, %swap3A_13], %xor3A_12 {strides = array<i32>} : memref<16x4096xi32, #tpu.memory_space<vmem>>, vector<16x4096xi32>,
    return
  }
}

</mosaic_0001>

<sc_bundles>
// kernel: kernel.4.cloned.1.call-start
scs
__scs_entry_jumppad:
0x0: {  	(pc) =	sbr.rel $0x88, $3  }
0x1: {  	(tag) =	ssettag $0x0;
	lr =	simm.s32 $0x1  }
0x2: {  	[smem:$0x3F9C] =	sst lr;
	_ =	strace $0xD0000000  }
0x3: {  	_ = 	snop  }
0x4: {  	_ = 	snop  }
0x5: {  	_ = 	snop  }
0x6: {  	_ = 	snop  }
0x7: {  	_ = 	snop  }
__scs_overlays_trampoline_lowered:
0x8: {  	[smem:$0x3FAB] =	sst s0  }
0x9: {  	[smem:$0x3FAC] =	sst s1  }
0xa: {  	[smem:$0x3FAD] =	sst s2  }
0xb: {  	[smem:$0x3FAE] =	sst s3  }
0xc: {  	[smem:$0x3FAF] =	sst s4  }
0xd: {  	[smem:$0x3FB0] =	sst s5  }
0xe: {  	[smem:$0x3FB1] =	sst s6  }
0xf: {  	[smem:$0x3FB2] =	sst s7  }
0x10: {  	[smem:$0x3FB3] =	sst s8  }
0x11: {  	[smem:$0x3FB4] =	sst s9;
	s0 =	simm.s32 @!p0 $0x0  }
0x12: {  	s1 =	sld [smem:$0x3F9A];
	s0 =	simm.s32 @p0 $0x1  }
0x13: {  	[smem:$0x3FB5] =	sst s0;
	s0 =	simm.s32 @!p1 $0x0  }
0x14: {  	s2 =	sld [smem:$0x3F99];
	s0 =	simm.s32 @p1 $0x1  }
0x15: {  	[smem:$0x3FB6] =	sst s0;
	s0 =	simm.s32 @!p2 $0x0  }
0x16: {  	s3 =	sld [smem:$0x3FDB];
	s0 =	simm.s32 @p2 $0x1  }
0x17: {  	s4 =	simm.s32 $0x1BF5;
	[smem:$0x3FB8] =	sst s0  }
0x18: {  	s0 =	sld [smem:$0x3F9B];
	_ =	swait.ge [sflag:s4], $0x0  }
0x19: {  	s7 =	sld [smem:$0x3F9C]  }
0x1a: {  	s8 =	sadd.s32 $0xFFFFE003, lr  }
0x1b: {  	s9 =	sadd.s32 $0xFFFFFEF7, lr;
	s5 =	simm.s32 $0xFFFFFFFF;
	p2 =	slt.u32 s8, $0xFFFFF086  }
0x1c: {  	p1 =	slt.u32 s9, $0xF7A;
	s5 =	simm.s32 @!p2 $0x0  }
0x1d: {  	s5 =	simm.s32 @p1 $0x1;
	p0 =	seq.s32 s7, s2  }
0x1e: {  	s7 =	smul.u32 @!p0 $0xF7A, s2;
	p2 =	seq.s32 @!p0 s5, $0x0  }
0x1f: {  	s9 =	smul.u32 $0xF7A, s1;
	s8 =	simm.s32 @!p0 $0x1BF5;
	p2 =	por !p2, p0  }
0x20: {  	[sflag:s8] =	ssyncset.s32 @!p0 $0xFFFFF086;
	s6 =	sadd.s32 @!p0 s3, s7;
	s7 =	simm.s32 @!p0 $0x108  }
0x21: {  	s3 =	sadd.s32 s3, s9;
	s6 =	sadd.s32 @!p0 $0x88, s6;
	s7 =	simm.s32 @p2 $0x1082  }
0x22: {  	[simem:s7], [sflag:s8] =	dma.local @!p0 [hbm:s6], $0xF7A  }
0x23: {  	s9 =	sor.u32 $0xD0000000, s2;
	s6 =	simm.s32 $0x108;
	_ =	swait.ge @!p0 [sflag:s8], $0x0  }
0x24: {  	s3 =	sadd.s32 $0x88, s3;
	s6 =	simm.s32 @!p1 $0x1082;
	[sflag:s4] =	ssyncset.s32 $0xFFFFF086  }
0x25: {  	[simem:s6], [sflag:s4] =	dma.local [hbm:s3], $0xF7A  }
0x26: {  	[smem:$0x3F9C] =	sst s1;
	(tag) =	ssettag s2;
	_ =	strace s9  }
0x27: {  	s1 =	sld [smem:$0x3FAC]  }
0x28: {  	s2 =	sld [smem:$0x3FAD]  }
0x29: {  	s4 =	sld [smem:$0x3FAF]  }
0x2a: {  	p0 =	seq.s32 s5, $0x0;
	s5 =	sld [smem:$0x3FB0]  }
0x2b: {  	s6 =	sld [smem:$0x3FB1]  }
0x2c: {  	s7 =	sld [smem:$0x3FB2]  }
0x2d: {  	s3 =	simm.s32 $0x108;
	s8 =	sld [smem:$0x3FB3]  }
0x2e: {  	s3 =	simm.s32 @!p0 $0x1082;
	s9 =	sld [smem:$0x3FB4]  }
0x2f: {  	lr =	sadd.s32 s0, s3;
	s0 =	sld [smem:$0x3FAB]  }
0x30: {  	s3 =	sld [smem:$0x3FAE]  }
0x31: {  	[smem:$0x3FB7] =	sst s10  }
0x32: {  	s10 =	sld [smem:$0x3FB5];
	_ =	sdelay $0x3  }
0x33: {  	p0 =	seq.s32 s10, $0x1;
	s10 =	sld [smem:$0x3FB7];
	_ =	sdelay $0x3  }
0x34: {  	[smem:$0x3FB7] =	sst s10  }
0x35: {  	s10 =	sld [smem:$0x3FB6];
	_ =	sdelay $0x3  }
0x36: {  	p1 =	seq.s32 s10, $0x1;
	s10 =	sld [smem:$0x3FB7];
	_ =	sdelay $0x3  }
0x37: {  	[smem:$0x3FB7] =	sst s10  }
0x38: {  	s10 =	sld [smem:$0x3FB8]  }
0x39: {  	_ = 	snop;
	(pc) =	sbr.ind lr, $3  }
0x3a: {  	_ = 	snop  }
0x3b: {  	_ = 	snop  }
0x3c: {  	p2 =	seq.s32 s10, $0x1;
	s10 =	sld [smem:$0x3FB7]  }
0x3d: {  	_ =	shalt  }
0x3e: {  	_ =	shalt  }
0x3f: {  	_ =	shalt  }
0x40: {  	_ =	shalt  }
0x41: {  	_ =	shalt  }
0x42: {  	_ =	shalt  }
0x43: {  	_ =	shalt  }
0x44: {  	_ =	shalt  }
0x45: {  	_ =	shalt  }
0x46: {  	_ =	shalt  }
0x47: {  	_ =	shalt  }
0x48: {  	_ =	shalt  }
0x49: {  	_ =	shalt  }
0x4a: {  	_ =	shalt  }
0x4b: {  	_ =	shalt  }
0x4c: {  	_ =	shalt  }
0x4d: {  	_ =	shalt  }
0x4e: {  	_ =	shalt  }
0x4f: {  	_ =	shalt  }
0x50: {  	_ =	shalt  }
0x51: {  	_ =	shalt  }
0x52: {  	_ =	shalt  }
0x53: {  	_ =	shalt  }
0x54: {  	_ =	shalt  }
0x55: {  	_ =	shalt  }
0x56: {  	_ =	shalt  }
0x57: {  	_ =	shalt  }
0x58: {  	_ =	shalt  }
0x59: {  	_ =	shalt  }
0x5a: {  	_ =	shalt  }
0x5b: {  	_ =	shalt  }
0x5c: {  	_ =	shalt  }
0x5d: {  	_ =	shalt  }
0x5e: {  	_ =	shalt  }
0x5f: {  	_ =	shalt  }
0x60: {  	_ =	shalt  }
0x61: {  	_ =	shalt  }
0x62: {  	_ =	shalt  }
0x63: {  	_ =	shalt  }
0x64: {  	_ =	shalt  }
0x65: {  	_ =	shalt  }
0x66: {  	_ =	shalt  }
0x67: {  	_ =	shalt  }
0x68: {  	_ =	shalt  }
0x69: {  	_ =	shalt  }
0x6a: {  	_ =	shalt  }
0x6b: {  	_ =	shalt  }
0x6c: {  	_ =	shalt  }
0x6d: {  	_ =	shalt  }
0x6e: {  	_ =	shalt  }
0x6f: {  	_ =	shalt  }
0x70: {  	_ =	shalt  }
0x71: {  	_ =	shalt  }
0x72: {  	_ =	shalt  }
0x73: {  	_ =	shalt  }
0x74: {  	_ =	shalt  }
0x75: {  	_ =	shalt  }
0x76: {  	_ =	shalt  }
0x77: {  	_ =	shalt  }
0x78: {  	_ =	shalt  }
0x79: {  	_ =	shalt  }
0x7a: {  	_ =	shalt  }
0x7b: {  	_ =	shalt  }
0x7c: {  	_ =	shalt  }
0x7d: {  	_ =	shalt  }
0x7e: {  	_ =	shalt  }
0x7f: {  	_ =	shalt  }
0x80: {  	_ =	shalt  }
0x81: {  	_ =	shalt  }
0x82: {  	_ =	shalt  }
0x83: {  	_ =	shalt  }
0x84: {  	_ =	shalt  }
0x85: {  	_ =	shalt  }
0x86: {  	_ =	shalt  }
0x87: {  	_ =	shalt  }
.Lfunc_end0:
.L_simem_size_0:
called_computation_lowered:
.L_overlay_start_0:
0x88: {  	s2 =	sld [smem:$0x3FD9]  }
0x89: {  	s3 =	sld [smem:$0x3FFE];
	_ =	sdelay $0x1  }
0x8a: {  	s1 =	srdreg.scid  }
0x8b: {  	s0 =	sand.u32 $0x1, s1  }
0x8c: {  	s14 =	sshll.u32 s0, $0xA;
	s2 =	sadd.s32 s3, s2  }
0x8d: {  	s2 =	sadd.s32 s2, s14  }
0x8e: {  	[smem:$0x3FC3] =	sst s2  }
0x8f: {  	_ = 	snop  }
0x90: {  	s2 =	sld [smem:$0x3FD0];
	_ =	sdelay $0x2  }
0x91: {  	s15 =	simm.s32 $0xA;
	s4 =	simm.s32 $0x10  }
0x92: {  	[smem:s4], [sflag:s15] =	dma.local [hbm:s2], $0x1  }
0x93: {  	_ =	swait.eq [sflag:s15], $0x1  }
0x94: {  	[sflag:s15] =	ssyncset.done $0x0  }
0x95: {  	[sflag:s15] =	ssyncadd.s32 $0xFFFFFFFF  }
0x96: {  	s16 =	sld [smem:$0x10];
	(tm) =	ssettm $0x1  }
0x97: {  	s17 =	sld [smem:$0x3FFB];
	_ =	sdelay $0x3  }
0x98: {  	_ =	strace s17  }
0x99: {  	s3 =	sld [smem:$0x3FFC];
	_ =	sdelay $0x3  }
0x9a: {  	_ =	strace s3  }
0x9b: {  	s3 =	sld [smem:$0x3FFD];
	_ =	sdelay $0x3  }
0x9c: {  	_ =	strace s3  }
0x9d: {  	_ =	strace $0x8FFFFFFF  }
0x9e: {  	s18 =	sld [smem:$0x3FDB];
	_ =	sdelay $0x1  }
0x9f: {  	s19 =	simm.s32 $_scs_section_size  }
0xa0: {  	s5 =	simm.s32 $_size__tile_overlayer_lowered;
	s6 =	simm.s32 $_tile_overlayer_lowered  }
0xa1: {  	s22 =	simm.s32 $0x1BFF;
	s21 =	sshll.u32 s6, $0x1;
	s3 =	sadd.s32 s19, s18  }
0xa2: {  	s7 =	simm.s32 $0x0;
	s20 =	sshll.u32 s5, $0x1;
	s5 =	sadd.s32 s21, s3  }
0xa3: {  	[timem:s7], [sflag:s22] =	dma.local [hbm:s5], s20  }
0xa4: {  	_ =	swait.ge [sflag:s22], s20  }
0xa5: {  	s4 =	ssub.s32 $0x0, s20;
	[sflag:s22] =	ssyncset.done $0x0  }
0xa6: {  	[sflag:s22] =	ssyncadd.s32 s4;
	_ =	sdelay $0x1  }
0xa7: {  	s23 =	simm.s32 $0x1B8B  }
0xa8: {  	_ =	swait.ge [sflag:s23], $0x1  }
0xa9: {  	[sflag:s23] =	ssyncset.done $0x0  }
0xaa: {  	s25 =	simm.s32 $0x1B8E;
	s24 =	sld [smem:$0x3FFE];
	[sflag:s23] =	ssyncadd.s32 $0xFFFFFFFF  }
0xab: {  	s26 =	simm.s32 $execute0_lowered;
	[smem:$0x3FD2] =	sst s25  }
0xac: {  	s5 =	sshll.u32 s26, $0x1;
	_ =	strace $0x80000046;
	[dreg:$0x1] =	wrdreg $0xFFFFFFFF  }
0xad: {  	s28 =	simm.s32 $_size_execute0_lowered;
	s3 =	sadd.s32 s3, s5;
	[dreg:$0x0] =	wrdreg $0x0  }
0xae: {  	s5 =	sshll.u32 s28, $0x1;
	[dreg:$0x2] =	wrdreg s3  }
0xaf: {  	[dreg:$0x3] =	wrdreg s5  }
0xb0: {  	[dreg:$0x4] =	wrdreg $0xC0  }
0xb1: {  	_ =	task [dreg:s7], $0x5FFFF  }
0xb2: {  	[dreg:$0x1] =	wrdreg $0xFFFFFFFF  }
0xb3: {  	[dreg:$0x0] =	wrdreg $0x60  }
0xb4: {  	[dreg:$0x2] =	wrdreg s16  }
0xb5: {  	[dreg:$0x3] =	wrdreg s24  }
0xb6: {  	[dreg:$0x4] =	wrdreg $0x9  }
0xb7: {  	_ =	task.clear_ibuf [dreg:s7], $0x5FFFF;
	_ =	strace $0x90000046  }
0xb8: {  	s29 =	simm.s32 $0x9;
	_ =	strace $0x80000048  }
0xb9: {  	_ =	swait.ge [sflag:s29], $0x1  }
0xba: {  	[sflag:s29] =	ssyncadd.s32 $0xFFFFFFFF  }
0xbb: {  	_ =	strace $0x90000048  }
0xbc: {  	_ =	sfence  }
0xbd: {  	s30 =	sld [smem:$0x0];
	_ =	sdelay $0x2  }
0xbe: {  	s31 =	sshll.u32 s1, $0xD;
	s1 =	sshrl.u32 s1, $0x2  }
0xbf: {  	s3 =	sand.u32 $0x4000, s31;
	s1 =	sadd.s32 s1, s30  }
0xc0: {  	s0 =	sor.u32 s3, s0;
	s1 =	sshll.u32 s1, $0x11  }
0xc1: {  	s0 =	sor.u32 s1, s0  }
0xc2: {  	s0 =	sadd.s32 $0x8F2B, s0  }
0xc3: {  	[sflag:s0] =	ssyncadd.remote.s32 $0x1  }
0xc4: {  	_ =	sfence.sel $0xFFFF  }
0xc5: {  	[dreg:$0x0] =	wrdreg $0xFFFFFFFF;
	(pc) =	sbr.abs _section_cstart, $3  }
0xc6: {  	[dreg:$0x1] =	wrdreg $0xFFFFFFFF  }
0xc7: {  	_ =	task.clear_ibuf [dreg:s7], $0x2FFFF;
	_ =	strace $0x9FFFFFFF  }
0xc8: {  	(tm) =	ssettm $0x7FFFFFFF  }
0xc9: {  	_ =	shalt  }
tec
execute0_lowered:
.L_overlay_start_1:
0x0: {  	(tag) =	ssettag $0x1  }
0x1: {  	s3 =	rddreg [dreg:$0x0]  }
0x2: {  	s4 =	rddreg [dreg:$0x1]  }
0x3: {  	s0 =	rddreg [dreg:$0x2]  }
0x4: {  	s2 =	simm.s32 $0x0;
	s1 =	stileid.u32;
	s5 =	srdreg.scid  }
0x5: {  	s12 =	simm.s32 $0x6000;
	s13 =	simm.s32 $0x7000;
	s14 =	simm.s32 $0x1000  }
0x6: {  	s15 =	simm.s32 $0x2000;
	s16 =	simm.s32 $0x5000;
	s17 =	simm.s32 $0x3000  }
0x7: {  	s18 =	simm.s32 $0x4000;
	s19 =	simm.s32 $0x8000;
	s20 =	simm.s32 $0x9000  }
0x8: {  	s21 =	simm.s32 $0x0;
	[smem:$0x7FF] =	sst s2;
	s6 =	sshll.u32 s1, $0xC  }
0x9: {  	s7 =	sshll.u32 s1, $0x7;
	s5 =	sand.u32 $0x1, s5;
	s28 =	sadd.s32 $0x1200, s4  }
0xa: {  	s9 =	sadd.s32 $0x9200, s4;
	_ =	strace $0x80000047;
	s6 =	sor.u32 s7, s6  }
0xb: {  	s8 =	sshll.u32 s5, $0x11;
	s29 =	ssub.s32 $0x2, s5;
	s6 =	sand.u32 $0x8380, s6  }
0xc: {  	s31 =	sshrl.u32 s29, $0x1;
	s30 =	sor.u32 s8, s6;
	s6 =	sshrl.u32 s6, $0x3  }
0xd: {  	s8 =	ssub.s32 s29, s31;
	s10 =	sshrl.u32 s30, $0x3;
	s3 =	sadd.s32 s3, s6  }
0xe: {  	s8 =	smax.u32 s8, $0x1;
	s11 =	sor.u32 $0x2000, s10;
	s4 =	sadd.s32 s28, s10  }
0xf: {  	v0 =	vlaneseq.u32;
	s6 =	sadd.s32 s9, s10;
	s10 =	simm.s32 $0x400;
	s5 =	sadd.s32 s28, s11  }
0x10: {  	v1 =	vimm.s32 $0x0;
	v2 =	vimm.s32 $0x1;
	v3 =	vmul.u32 $0x10, v0;
	s7 =	sadd.s32 s9, s11;
	s9 =	simm.s32 $0x80;
	s11 =	simm.s32 $0x1  }
.LBB2_1:
0x11: {  	[tilespmem:s2], [sflag:$0x1] =	stream.strided.gather [hbm4b:s3+s9], $0x1000, s10, s9, $0x38;
	[tilespmem:$0xA000] =	vst v63  }
0x12: {  	_ =	swait.ge [sflag:s11], $0x1000  }
0x13: {  	[sflag:s11] =	ssyncset.done $0x0  }
0x14: {  	[sflag:s11] =	ssyncadd.s32 $0xFFFFF000  }
0x15: {  	[tilespmem:s12], [sflag:$0x1] =	stream.strided.gather [hbm4b:s4+s9], $0x1000, s10, s9, $0x38;
	[tilespmem:$0xA000] =	vst v63  }
0x16: {  	_ =	swait.ge [sflag:s11], $0x1000  }
0x17: {  	[sflag:s11] =	ssyncset.done $0x0  }
0x18: {  	s22 =	simm.s32 $0x0;
	[sflag:s11] =	ssyncadd.s32 $0xFFFFF000  }
0x19: {  	[tilespmem:s13], [sflag:$0x1] =	stream.strided.gather [hbm4b:s5+s9], $0x1000, s10, s9, $0x38;
	[tilespmem:$0xA000] =	vst v63  }
0x1a: {  	v5 =	vor.u32 s22, v0;
	_ =	swait.ge [sflag:s11], $0x1000  }
0x1b: {  	v4 =	vmov s22;
	v6 =	vshll.u32 v5, $0x4;
	[sflag:s11] =	ssyncset.done $0x0  }
0x1c: {  	s22 =	simm.s32 $0x10;
	v4 =	vshrl.u32 v4, $0x8;
	v6 =	vand.u32 $0xEF0, v6;
	[sflag:s11] =	ssyncadd.s32 $0xFFFFF000  }
0x1d: {  	v6 =	vor.u32 v4, v6;
	v7 =	vld [tilespmem:s22+$0xFFFFFFF0];
	_ =	sdelay $0x3  }
0x1e: {  	v4 =	vor.u32 s22, v0  }
0x1f: {  	v8 =	vshll.u32 v4, $0x4;
	[tilespmem:v6+s14+$0x0] =	vst.idx.msk $0xffff, v7;
	v7 =	vmov s22  }
0x20: {  	[tilespmem:v6+s15+$0x0] =	vst.idx.msk $0xffff, v5;
	v5 =	vand.u32 $0xFF0, v8;
	v7 =	vshrl.u32 v7, $0x8  }
0x21: {  	v6 =	vld [tilespmem:s22+$0x0];
	v5 =	vor.u32 v7, v5;
	_ =	sdelay $0x1  }
0x22: {  	s24 =	simm.s32 $0x0;
	s25 =	simm.s32 $0x30  }
.LBB2_2:
0x23: {  	s23 =	sadd.s32 $0xFFFFFFF0, s25  }
0x24: {  	v7 =	vor.u32 s23, v0  }
0x25: {  	s24 =	sadd.s32 $0x2, s24;
	v8 =	vmov s23;
	s23 =	simm.s32 $0x5020;
	v9 =	vshll.u32 v7, $0x4;
	[tilespmem:v5+s14+$0x0] =	vst.idx.msk $0xffff, v6  }
0x26: {  	s22 =	sadd.s32 $0x20, s22;
	p0 =	slt.u32 s24, $0xFE;
	v8 =	vshrl.u32 v8, $0x8;
	v6 =	vand.u32 $0xEF0, v9;
	[tilespmem:v5+s15+$0x0] =	vst.idx.msk $0xffff, v4  }
0x27: {  	v5 =	vld [tilespmem:s22+$0xFFFFFFF0];
	v6 =	vor.u32 v8, v6;
	_ =	sdelay $0x3  }
0x28: {  	v4 =	vor.u32 s25, v0  }
.Ltmp0:
0x29: {  	v8 =	vshll.u32 v4, $0x4;
	[tilespmem:v6+s14+$0x0] =	vst.idx.msk $0xffff, v5;
	v5 =	vmov s25;
	(pc) =	sbr.rel @p0 .LBB2_2-.Ltmp0, $3  }
0x2a: {  	[tilespmem:v6+s15+$0x0] =	vst.idx.msk $0xffff, v7;
	v7 =	vand.u32 $0xFF0, v8;
	v5 =	vshrl.u32 v5, $0x8  }
0x2b: {  	v6 =	vld [tilespmem:s22+$0x0];
	v5 =	vor.u32 v5, v7;
	_ =	sdelay $0x1  }
0x2c: {  	s25 =	sadd.s32 $0x20, s25  }
0x2d: {  	_ =	sdelay $0x3  }
0x2e: {  	[tilespmem:v5+s14+$0x0] =	vst.idx.msk $0xffff, v6  }
0x2f: {  	[tilespmem:v5+s15+$0x0] =	vst.idx.msk $0xffff, v4  }
0x30: {  	[tilespmem:s23+$0xFFFFFFE0] =	vst v1  }
0x31: {  	[tilespmem:s23+$0x10] =	vst v1  }
0x32: {  	s24 =	simm.s32 $0x0;
	s22 =	simm.s32 $0x1010;
	[tilespmem:s23+$0x0] =	vst v1  }
.LBB2_4:
0x33: {  	s24 =	sadd.s32 $0x4, s24  }
0x34: {  	[tilespmem:s23+$0xFFFFFFF0] =	vst v1;
	s23 =	sadd.s32 $0x40, s23;
	p0 =	slt.u32 s24, $0xFC  }
.Ltmp1:
0x35: {  	[tilespmem:s23+$0xFFFFFFE0] =	vst v1;
	(pc) =	sbr.rel @p0 .LBB2_4-.Ltmp1, $3  }
0x36: {  	_ =	sdelay $0x1  }
0x37: {  	[tilespmem:s23+$0x10] =	vst v1  }
0x38: {  	[tilespmem:s23+$0x0] =	vst v1  }
0x39: {  	[tilespmem:s23+$0xFFFFFFF0] =	vst v1;
	s24 =	simm.s32 $0xFFFFFFFE  }
.LBB2_6:
0x3a: {  	v4 =	vld [tilespmem:s22+$0xFFFFFFF0];
	_ =	sdelay $0x4  }
0x3b: {  	v4 =	vshll.u32 v4, $0x4  }
0x3c: {  	v4 =	vor.u32 v0, v4  }
0x3d: {  	v4 =	vand.u32 $0xFFF, v4;
	_ =	sdelay $0x4  }
0x3e: {  	[tilespmem:v4+s16+$0x0] =	vst.idx.add.s32.msk $0xffff, v2  }
0x3f: {  	v4 =	vld [tilespmem:s22+$0x0];
	_ =	sdelay $0x4  }
0x40: {  	v4 =	vshll.u32 v4, $0x4  }
0x41: {  	s24 =	sadd.s32 $0x2, s24;
	v4 =	vor.u32 v0, v4  }
0x42: {  	p0 =	slt.u32 s24, $0xFE;
	v4 =	vand.u32 $0xFFF, v4  }
.Ltmp2:
0x43: {  	_ = 	snop;
	(pc) =	sbr.rel @p0 .LBB2_6-.Ltmp2, $2  }
0x44: {  	_ =	sdelay $0x2  }
0x45: {  	s23 =	simm.s32 $0x0;
	s25 =	simm.s32 $0x5010;
	s22 =	sadd.s32 $0x20, s22;
	[tilespmem:v4+s16+$0x0] =	vst.idx.add.s32.msk $0xffff, v2  }
0x46: {  	v5 =	vld [tilespmem:s25+$0xFFFFFFF0];
	_ =	sdelay $0x4  }
0x47: {  	(xrf0) =	vadd.scan.msk.s32 $0xffff, v5;
	_ =	sdelay $0x2  }
0x48: {  	v4 =	vld [tilespmem:s25+$0x0];
	_ =	sdelay $0x2  }
0x49: {  	v6, _, _ =	vpop (xrf0)  }
0x4a: {  	(v2sf) =	vpush v6, $0xF  }
0x4b: {  	(xrf0) =	vadd.scan.msk.s32 $0xffff, v4;
	_ =	sdelay $0x5  }
0x4c: {  	s22 =	simm.s32 $0x5030;
	v7, _, _ =	vpop (xrf0)  }
0x4d: {  	(v2sf) =	vpush v7, $0xF;
	v7 =	vsub.s32 v7, v4;
	v4 =	vld [tilespmem:s22+$0xFFFFFFF0];
	_ =	sdelay $0x4  }
0x4e: {  	(xrf0) =	vadd.scan.msk.s32 $0xffff, v4;
	_ =	sdelay $0x1  }
0x4f: {  	v5 =	vsub.s32 s23, v5;
	s24 =	spop (v2sf)  }
0x50: {  	v5 =	vadd.s32 v6, v5;
	s24 =	sadd.s32 $0x0, s24  }
0x51: {  	v7 =	vadd.s32 s24, v7  }
0x52: {  	[tilespmem:s25+$0x0] =	vst v7  }
0x53: {  	v7 =	vld [tilespmem:s22+$0x0];
	[tilespmem:s25+$0xFFFFFFF0] =	vst v5;
	v5, _, _ =	vpop (xrf0)  }
0x54: {  	(v2sf) =	vpush v5, $0xF;
	_ =	sdelay $0x2  }
0x55: {  	s23 =	simm.s32 $0x5050  }
0x56: {  	v6 =	vld [tilespmem:s23+$0xFFFFFFF0];
	_ =	sdelay $0x3  }
0x57: {  	(xrf0) =	vadd.scan.msk.s32 $0xffff, v7  }
0x58: {  	(xrf0) =	vadd.scan.msk.s32 $0xffff, v6;
	_ =	sdelay $0x4  }
0x59: {  	s26 =	spop (v2sf);
	s25 =	simm.s32 $0x4;
	v8, _, _ =	vpop (xrf0)  }
.LBB2_8:
0x5a: {  	s25 =	sadd.s32 $0x2, s25;
	v9, _, _ =	vpop (xrf0);
	s28 =	spop (v2sf);
	(v2sf) =	vpush v8, $0xF;
	s24 =	sadd.s32 s24, s26  }
0x5b: {  	v7 =	vsub.s32 v8, v7;
	p0 =	slt.u32 s25, $0xFE;
	(v2sf) =	vpush v9, $0xF;
	v10 =	vsub.s32 s24, v4;
	s24 =	sadd.s32 s24, s28;
	v4 =	vmovc v6  }
0x5c: {  	v6 =	vadd.s32 v5, v10;
	v7 =	vadd.s32 s24, v7;
	v5 =	vmov v9  }
0x5d: {  	[tilespmem:s22+$0x0] =	vst v7  }
0x5e: {  	v7 =	vld [tilespmem:s23+$0x0];
	[tilespmem:s22+$0xFFFFFFF0] =	vst v6;
	s22 =	smov.u32 s23;
	s23 =	sadd.s32 $0x20, s23  }
0x5f: {  	v6 =	vld [tilespmem:s23+$0xFFFFFFF0];
	_ =	sdelay $0x3  }
0x60: {  	(xrf0) =	vadd.scan.msk.s32 $0xffff, v7  }
0x61: {  	(xrf0) =	vadd.scan.msk.s32 $0xffff, v6  }
.Ltmp3:
0x62: {  	(pc) =	sbr.rel @p0 .LBB2_8-.Ltmp3, $2  }
0x63: {  	_ =	sdelay $0x2  }
0x64: {  	v8, _, _ =	vpop (xrf0);
	s26 =	spop (v2sf)  }
0x65: {  	s25 =	spop (v2sf);
	s24 =	sadd.s32 s24, s26  }
0x66: {  	v7 =	vsub.s32 v8, v7;
	s25 =	sadd.s32 s24, s25  }
0x67: {  	v7 =	vadd.s32 s25, v7  }
0x68: {  	[tilespmem:s22+$0x0] =	vst v7  }
0x69: {  	v7 =	vld [tilespmem:s23+$0x0];
	_ =	sdelay $0x4  }
0x6a: {  	(xrf0) =	vadd.scan.msk.s32 $0xffff, v7;
	_ =	sdelay $0x1  }
0x6b: {  	v9, _, _ =	vpop (xrf0);
	(v2sf) =	vpush v8, $0xF  }
0x6c: {  	(v2sf) =	vpush v9, $0xF;
	_ =	sdelay $0x2  }
0x6d: {  	v63, _, _ =	vpop (xrf0)  }
0x6e: {  	(v2sf) =	vpush v63, $0xF;
	_ =	sdelay $0x9  }
0x6f: {  	s29 =	spop (v2sf)  }
0x70: {  	v4 =	vsub.s32 s24, v4;
	s30 =	spop (v2sf);
	s25 =	sadd.s32 s25, s29  }
0x71: {  	v4 =	vadd.s32 v5, v4;
	v5 =	vsub.s32 v63, v7;
	s24 =	sadd.s32 s25, s30  }
0x72: {  	[tilespmem:s22+$0xFFFFFFF0] =	vst v4;
	v4 =	vsub.s32 s25, v6;
	v5 =	vadd.s32 s24, v5  }
0x73: {  	s22 =	simm.s32 $0x1010;
	v4 =	vadd.s32 v9, v4;
	[tilespmem:s23+$0x0] =	vst v5  }
0x74: {  	s24 =	simm.s32 $0x2010;
	[tilespmem:s23+$0xFFFFFFF0] =	vst v4;
	s23 =	simm.s32 $0xFFFFFFFE;
	s31 =	spop (v2sf)  }
.LBB2_10:
0x75: {  	v4 =	vld [tilespmem:s22+$0xFFFFFFF0];
	_ =	sdelay $0x4  }
0x76: {  	v5 =	vshll.u32 v4, $0x4  }
0x77: {  	v5 =	vor.u32 v0, v5  }
0x78: {  	v5 =	vand.u32 $0xFFF, v5;
	_ =	sdelay $0x4  }
0x79: {  	v6 =	vld.idx.msk [tilespmem:v5+s16+$0x0], $0xffff;
	_ =	sdelay $0x4  }
0x7a: {  	v7 =	vshll.u32 v6, $0x4  }
0x7b: {  	v8 =	vshrl.u32 v6, $0x8;
	v7 =	vand.u32 $0xFF0, v7  }
0x7c: {  	v7 =	vadd.s32 v8, v7  }
0x7d: {  	v60 =	vld [tilespmem:s24+$0xFFFFFFF0];
	_ =	sdelay $0x1  }
0x7e: {  	v6 =	vadd.s32 $0x1, v6  }
0x7f: {  	[tilespmem:v5+s16+$0x0] =	vst.idx.msk $0xffff, v6  }
0x80: {  	[tilespmem:v7+s17+$0x0] =	vst.idx.msk $0xffff, v4  }
0x81: {  	[tilespmem:v7+s18+$0x0] =	vst.idx.msk $0xffff, v60  }
0x82: {  	v4 =	vld [tilespmem:s22+$0x0];
	_ =	sdelay $0x4  }
0x83: {  	v5 =	vshll.u32 v4, $0x4  }
0x84: {  	v5 =	vor.u32 v0, v5  }
0x85: {  	v5 =	vand.u32 $0xFFF, v5;
	_ =	sdelay $0x4  }
0x86: {  	v6 =	vld.idx.msk [tilespmem:v5+s16+$0x0], $0xffff;
	_ =	sdelay $0x4  }
0x87: {  	v61 =	vshll.u32 v6, $0x4  }
0x88: {  	v62 =	vshrl.u32 v6, $0x8;
	v7 =	vand.u32 $0xFF0, v61  }
0x89: {  	s23 =	sadd.s32 $0x2, s23;
	v7 =	vadd.s32 v62, v7  }
0x8a: {  	p0 =	slt.u32 s23, $0xFE;
	v63 =	vld [tilespmem:s24+$0x0]  }
.Ltmp4:
0x8b: {  	_ = 	snop;
	(pc) =	sbr.rel @p0 .LBB2_10-.Ltmp4, $4  }
0x8c: {  	v6 =	vadd.s32 $0x1, v6  }
0x8d: {  	[tilespmem:v5+s16+$0x0] =	vst.idx.msk $0xffff, v6  }
0x8e: {  	s26 =	simm.s32 $0xFFFFFFFC;
	[tilespmem:v7+s17+$0x0] =	vst.idx.msk $0xffff, v4  }
0x8f: {  	s25 =	simm.s32 $0x5020;
	s24 =	sadd.s32 $0x20, s24;
	s22 =	sadd.s32 $0x20, s22;
	[tilespmem:v7+s18+$0x0] =	vst.idx.msk $0xffff, v63  }
0x90: {  	[tilespmem:s25+$0xFFFFFFE0] =	vst v1  }
0x91: {  	[tilespmem:s25+$0x10] =	vst v1  }
0x92: {  	s23 =	sadd.s32 $0x4, s26;
	[tilespmem:s25+$0x0] =	vst v1;
	s22 =	simm.s32 $0x3010  }
.LBB2_12:
0x93: {  	s23 =	sadd.s32 $0x4, s23  }
0x94: {  	[tilespmem:s25+$0xFFFFFFF0] =	vst v1;
	s25 =	sadd.s32 $0x40, s25;
	p0 =	slt.u32 s23, $0xFC  }
.Ltmp5:
0x95: {  	[tilespmem:s25+$0xFFFFFFE0] =	vst v1;
	(pc) =	sbr.rel @p0 .LBB2_12-.Ltmp5, $3  }
0x96: {  	_ =	sdelay $0x1  }
0x97: {  	[tilespmem:s25+$0x10] =	vst v1  }
0x98: {  	[tilespmem:s25+$0x0] =	vst v1  }
0x99: {  	[tilespmem:s25+$0xFFFFFFF0] =	vst v1;
	s24 =	simm.s32 $0xFFFFFFFE  }
.LBB2_14:
0x9a: {  	v4 =	vld [tilespmem:s22+$0xFFFFFFF0];
	_ =	sdelay $0x4  }
0x9b: {  	v4 =	vshrl.u32 v4, $0x4  }
0x9c: {  	v4 =	vand.u32 $0xFF0, v4  }
0x9d: {  	v4 =	vor.u32 v0, v4;
	_ =	sdelay $0x4  }
0x9e: {  	[tilespmem:v4+s16+$0x0] =	vst.idx.add.s32.msk $0xffff, v2  }
0x9f: {  	v4 =	vld [tilespmem:s22+$0x0];
	_ =	sdelay $0x4  }
0xa0: {  	v4 =	vshrl.u32 v4, $0x4  }
0xa1: {  	s24 =	sadd.s32 $0x2, s24;
	v4 =	vand.u32 $0xFF0, v4  }
0xa2: {  	p0 =	slt.u32 s24, $0xFE;
	v4 =	vor.u32 v0, v4  }
.Ltmp6:
0xa3: {  	_ = 	snop;
	(pc) =	sbr.rel @p0 .LBB2_14-.Ltmp6, $2  }
0xa4: {  	_ =	sdelay $0x2  }
0xa5: {  	s23 =	simm.s32 $0x0;
	s25 =	simm.s32 $0x5010;
	s22 =	sadd.s32 $0x20, s22;
	[tilespmem:v4+s16+$0x0] =	vst.idx.add.s32.msk $0xffff, v2  }
0xa6: {  	v5 =	vld [tilespmem:s25+$0xFFFFFFF0];
	_ =	sdelay $0x4  }
0xa7: {  	(xrf0) =	vadd.scan.msk.s32 $0xffff, v5;
	_ =	sdelay $0x2  }
0xa8: {  	v4 =	vld [tilespmem:s25+$0x0];
	_ =	sdelay $0x2  }
0xa9: {  	v6, _, _ =	vpop (xrf0)  }
0xaa: {  	(v2sf) =	vpush v6, $0xF  }
0xab: {  	(xrf0) =	vadd.scan.msk.s32 $0xffff, v4;
	_ =	sdelay $0x5  }
0xac: {  	s22 =	simm.s32 $0x5030;
	v7, _, _ =	vpop (xrf0)  }
0xad: {  	(v2sf) =	vpush v7, $0xF;
	v7 =	vsub.s32 v7, v4;
	v4 =	vld [tilespmem:s22+$0xFFFFFFF0];
	_ =	sdelay $0x4  }
0xae: {  	(xrf0) =	vadd.scan.msk.s32 $0xffff, v4;
	_ =	sdelay $0x1  }
0xaf: {  	v5 =	vsub.s32 s23, v5;
	s24 =	spop (v2sf)  }
0xb0: {  	v5 =	vadd.s32 v6, v5;
	s24 =	sadd.s32 $0x0, s24  }
0xb1: {  	v7 =	vadd.s32 s24, v7  }
0xb2: {  	[tilespmem:s25+$0x0] =	vst v7  }
0xb3: {  	v7 =	vld [tilespmem:s22+$0x0];
	[tilespmem:s25+$0xFFFFFFF0] =	vst v5;
	v5, _, _ =	vpop (xrf0)  }
0xb4: {  	(v2sf) =	vpush v5, $0xF;
	_ =	sdelay $0x2  }
0xb5: {  	s23 =	simm.s32 $0x5050  }
0xb6: {  	v6 =	vld [tilespmem:s23+$0xFFFFFFF0];
	_ =	sdelay $0x3  }
0xb7: {  	(xrf0) =	vadd.scan.msk.s32 $0xffff, v7  }
0xb8: {  	(xrf0) =	vadd.scan.msk.s32 $0xffff, v6;
	_ =	sdelay $0x4  }
0xb9: {  	s26 =	spop (v2sf);
	s25 =	simm.s32 $0x4;
	v8, _, _ =	vpop (xrf0)  }
.LBB2_16:
0xba: {  	s25 =	sadd.s32 $0x2, s25;
	v9, _, _ =	vpop (xrf0);
	s28 =	spop (v2sf);
	(v2sf) =	vpush v8, $0xF;
	s24 =	sadd.s32 s24, s26  }
0xbb: {  	v7 =	vsub.s32 v8, v7;
	p0 =	slt.u32 s25, $0xFE;
	(v2sf) =	vpush v9, $0xF;
	v10 =	vsub.s32 s24, v4;
	s24 =	sadd.s32 s24, s28;
	v4 =	vmovc v6  }
0xbc: {  	v6 =	vadd.s32 v5, v10;
	v7 =	vadd.s32 s24, v7;
	v5 =	vmov v9  }
0xbd: {  	[tilespmem:s22+$0x0] =	vst v7  }
0xbe: {  	v7 =	vld [tilespmem:s23+$0x0];
	[tilespmem:s22+$0xFFFFFFF0] =	vst v6;
	s22 =	smov.u32 s23;
	s23 =	sadd.s32 $0x20, s23  }
0xbf: {  	v6 =	vld [tilespmem:s23+$0xFFFFFFF0];
	_ =	sdelay $0x3  }
0xc0: {  	(xrf0) =	vadd.scan.msk.s32 $0xffff, v7  }
0xc1: {  	(xrf0) =	vadd.scan.msk.s32 $0xffff, v6  }
.Ltmp7:
0xc2: {  	(pc) =	sbr.rel @p0 .LBB2_16-.Ltmp7, $2  }
0xc3: {  	_ =	sdelay $0x2  }
0xc4: {  	v8, _, _ =	vpop (xrf0);
	s26 =	spop (v2sf)  }
0xc5: {  	s25 =	spop (v2sf);
	s24 =	sadd.s32 s24, s26  }
0xc6: {  	v7 =	vsub.s32 v8, v7;
	s25 =	sadd.s32 s24, s25  }
0xc7: {  	v7 =	vadd.s32 s25, v7  }
0xc8: {  	[tilespmem:s22+$0x0] =	vst v7  }
0xc9: {  	v7 =	vld [tilespmem:s23+$0x0];
	_ =	sdelay $0x4  }
0xca: {  	(xrf0) =	vadd.scan.msk.s32 $0xffff, v7;
	_ =	sdelay $0x1  }
0xcb: {  	v9, _, _ =	vpop (xrf0);
	(v2sf) =	vpush v8, $0xF  }
0xcc: {  	(v2sf) =	vpush v9, $0xF;
	_ =	sdelay $0x2  }
0xcd: {  	v63, _, _ =	vpop (xrf0)  }
0xce: {  	(v2sf) =	vpush v63, $0xF;
	_ =	sdelay $0x9  }
0xcf: {  	s29 =	spop (v2sf)  }
0xd0: {  	v4 =	vsub.s32 s24, v4;
	s30 =	spop (v2sf);
	s25 =	sadd.s32 s25, s29  }
0xd1: {  	v4 =	vadd.s32 v5, v4;
	v5 =	vsub.s32 v63, v7;
	s24 =	sadd.s32 s25, s30  }
0xd2: {  	[tilespmem:s22+$0xFFFFFFF0] =	vst v4;
	v4 =	vsub.s32 s25, v6;
	v5 =	vadd.s32 s24, v5  }
0xd3: {  	s22 =	simm.s32 $0x3010;
	v4 =	vadd.s32 v9, v4;
	[tilespmem:s23+$0x0] =	vst v5  }
0xd4: {  	s24 =	simm.s32 $0x4010;
	[tilespmem:s23+$0xFFFFFFF0] =	vst v4;
	s23 =	simm.s32 $0xFFFFFFFE;
	s31 =	spop (v2sf)  }
.LBB2_18:
0xd5: {  	v4 =	vld [tilespmem:s22+$0xFFFFFFF0];
	_ =	sdelay $0x4  }
0xd6: {  	v5 =	vshrl.u32 v4, $0x4  }
0xd7: {  	v5 =	vand.u32 $0xFF0, v5  }
0xd8: {  	v5 =	vor.u32 v0, v5;
	_ =	sdelay $0x4  }
0xd9: {  	v6 =	vld.idx.msk [tilespmem:v5+s16+$0x0], $0xffff;
	_ =	sdelay $0x4  }
0xda: {  	v7 =	vshll.u32 v6, $0x4  }
0xdb: {  	v8 =	vshrl.u32 v6, $0x8;
	v7 =	vand.u32 $0xFF0, v7  }
0xdc: {  	v7 =	vadd.s32 v8, v7  }
0xdd: {  	v60 =	vld [tilespmem:s24+$0xFFFFFFF0];
	_ =	sdelay $0x1  }
0xde: {  	v6 =	vadd.s32 $0x1, v6  }
0xdf: {  	[tilespmem:v5+s16+$0x0] =	vst.idx.msk $0xffff, v6  }
0xe0: {  	[tilespmem:v7+s14+$0x0] =	vst.idx.msk $0xffff, v4  }
0xe1: {  	[tilespmem:v7+s15+$0x0] =	vst.idx.msk $0xffff, v60  }
0xe2: {  	v4 =	vld [tilespmem:s22+$0x0];
	_ =	sdelay $0x4  }
0xe3: {  	v5 =	vshrl.u32 v4, $0x4  }
0xe4: {  	v5 =	vand.u32 $0xFF0, v5  }
0xe5: {  	v5 =	vor.u32 v0, v5;
	_ =	sdelay $0x4  }
0xe6: {  	v6 =	vld.idx.msk [tilespmem:v5+s16+$0x0], $0xffff;
	_ =	sdelay $0x4  }
0xe7: {  	v61 =	vshll.u32 v6, $0x4  }
0xe8: {  	v62 =	vshrl.u32 v6, $0x8;
	v7 =	vand.u32 $0xFF0, v61  }
0xe9: {  	s23 =	sadd.s32 $0x2, s23;
	v7 =	vadd.s32 v62, v7  }
0xea: {  	p0 =	slt.u32 s23, $0xFE;
	v63 =	vld [tilespmem:s24+$0x0]  }
.Ltmp8:
0xeb: {  	_ = 	snop;
	(pc) =	sbr.rel @p0 .LBB2_18-.Ltmp8, $4  }
0xec: {  	v6 =	vadd.s32 $0x1, v6  }
0xed: {  	[tilespmem:v5+s16+$0x0] =	vst.idx.msk $0xffff, v6  }
0xee: {  	s26 =	simm.s32 $0xFFFFFFFC;
	[tilespmem:v7+s14+$0x0] =	vst.idx.msk $0xffff, v4  }
0xef: {  	s25 =	simm.s32 $0x5020;
	s24 =	sadd.s32 $0x20, s24;
	s22 =	sadd.s32 $0x20, s22;
	[tilespmem:v7+s15+$0x0] =	vst.idx.msk $0xffff, v63  }
0xf0: {  	[tilespmem:s25+$0xFFFFFFE0] =	vst v1  }
0xf1: {  	[tilespmem:s25+$0x10] =	vst v1  }
0xf2: {  	s23 =	sadd.s32 $0x4, s26;
	[tilespmem:s25+$0x0] =	vst v1  }
.LBB2_20:
0xf3: {  	s23 =	sadd.s32 $0x4, s23  }
0xf4: {  	[tilespmem:s25+$0xFFFFFFF0] =	vst v1;
	s25 =	sadd.s32 $0x40, s25;
	p0 =	slt.u32 s23, $0xFC  }
.Ltmp9:
0xf5: {  	[tilespmem:s25+$0xFFFFFFE0] =	vst v1;
	(pc) =	sbr.rel @p0 .LBB2_20-.Ltmp9, $3  }
0xf6: {  	_ =	sdelay $0x1  }
0xf7: {  	[tilespmem:s25+$0x10] =	vst v1  }
0xf8: {  	s22 =	simm.s32 $0x1010;
	[tilespmem:s25+$0x0] =	vst v1  }
0xf9: {  	[tilespmem:s25+$0xFFFFFFF0] =	vst v1;
	s24 =	simm.s32 $0xFFFFFFFE  }
.LBB2_22:
0xfa: {  	v4 =	vld [tilespmem:s22+$0xFFFFFFF0];
	_ =	sdelay $0x4  }
0xfb: {  	v4 =	vshrl.u32 v4, $0xC  }
0xfc: {  	v4 =	vand.u32 $0xFF0, v4  }
0xfd: {  	v4 =	vor.u32 v0, v4;
	_ =	sdelay $0x4  }
0xfe: {  	[tilespmem:v4+s16+$0x0] =	vst.idx.add.s32.msk $0xffff, v2  }
0xff: {  	v4 =	vld [tilespmem:s22+$0x0];
	_ =	sdelay $0x4  }
0x100: {  	v4 =	vshrl.u32 v4, $0xC  }
0x101: {  	s24 =	sadd.s32 $0x2, s24;
	v4 =	vand.u32 $0xFF0, v4  }
0x102: {  	p0 =	slt.u32 s24, $0xFE;
	v4 =	vor.u32 v0, v4  }
.Ltmp10:
0x103: {  	_ = 	snop;
	(pc) =	sbr.rel @p0 .LBB2_22-.Ltmp10, $2  }
0x104: {  	_ =	sdelay $0x2  }
0x105: {  	s23 =	simm.s32 $0x0;
	s25 =	simm.s32 $0x5010;
	s22 =	sadd.s32 $0x20, s22;
	[tilespmem:v4+s16+$0x0] =	vst.idx.add.s32.msk $0xffff, v2  }
0x106: {  	v5 =	vld [tilespmem:s25+$0xFFFFFFF0];
	_ =	sdelay $0x4  }
0x107: {  	(xrf0) =	vadd.scan.msk.s32 $0xffff, v5;
	_ =	sdelay $0x2  }
0x108: {  	v4 =	vld [tilespmem:s25+$0x0];
	_ =	sdelay $0x2  }
0x109: {  	v6, _, _ =	vpop (xrf0)  }
0x10a: {  	(v2sf) =	vpush v6, $0xF  }
0x10b: {  	(xrf0) =	vadd.scan.msk.s32 $0xffff, v4;
	_ =	sdelay $0x5  }
0x10c: {  	s22 =	simm.s32 $0x5030;
	v7, _, _ =	vpop (xrf0)  }
0x10d: {  	(v2sf) =	vpush v7, $0xF;
	v7 =	vsub.s32 v7, v4;
	v4 =	vld [tilespmem:s22+$0xFFFFFFF0];
	_ =	sdelay $0x4  }
0x10e: {  	(xrf0) =	vadd.scan.msk.s32 $0xffff, v4;
	_ =	sdelay $0x1  }
0x10f: {  	v5 =	vsub.s32 s23, v5;
	s24 =	spop (v2sf)  }
0x110: {  	v5 =	vadd.s32 v6, v5;
	s24 =	sadd.s32 $0x0, s24  }
0x111: {  	v7 =	vadd.s32 s24, v7  }
0x112: {  	[tilespmem:s25+$0x0] =	vst v7  }
0x113: {  	v7 =	vld [tilespmem:s22+$0x0];
	[tilespmem:s25+$0xFFFFFFF0] =	vst v5;
	v5, _, _ =	vpop (xrf0)  }
0x114: {  	(v2sf) =	vpush v5, $0xF;
	_ =	sdelay $0x2  }
0x115: {  	s23 =	simm.s32 $0x5050  }
0x116: {  	v6 =	vld [tilespmem:s23+$0xFFFFFFF0];
	_ =	sdelay $0x3  }
0x117: {  	(xrf0) =	vadd.scan.msk.s32 $0xffff, v7  }
0x118: {  	(xrf0) =	vadd.scan.msk.s32 $0xffff, v6;
	_ =	sdelay $0x4  }
0x119: {  	s26 =	spop (v2sf);
	s25 =	simm.s32 $0x4;
	v8, _, _ =	vpop (xrf0)  }
.LBB2_24:
0x11a: {  	s25 =	sadd.s32 $0x2, s25;
	v9, _, _ =	vpop (xrf0);
	s28 =	spop (v2sf);
	(v2sf) =	vpush v8, $0xF;
	s24 =	sadd.s32 s24, s26  }
0x11b: {  	v7 =	vsub.s32 v8, v7;
	p0 =	slt.u32 s25, $0xFE;
	(v2sf) =	vpush v9, $0xF;
	v10 =	vsub.s32 s24, v4;
	s24 =	sadd.s32 s24, s28;
	v4 =	vmovc v6  }
0x11c: {  	v6 =	vadd.s32 v5, v10;
	v7 =	vadd.s32 s24, v7;
	v5 =	vmov v9  }
0x11d: {  	[tilespmem:s22+$0x0] =	vst v7  }
0x11e: {  	v7 =	vld [tilespmem:s23+$0x0];
	[tilespmem:s22+$0xFFFFFFF0] =	vst v6;
	s22 =	smov.u32 s23;
	s23 =	sadd.s32 $0x20, s23  }
0x11f: {  	v6 =	vld [tilespmem:s23+$0xFFFFFFF0];
	_ =	sdelay $0x3  }
0x120: {  	(xrf0) =	vadd.scan.msk.s32 $0xffff, v7  }
0x121: {  	(xrf0) =	vadd.scan.msk.s32 $0xffff, v6  }
.Ltmp11:
0x122: {  	(pc) =	sbr.rel @p0 .LBB2_24-.Ltmp11, $2  }
0x123: {  	_ =	sdelay $0x2  }
0x124: {  	v8, _, _ =	vpop (xrf0);
	s26 =	spop (v2sf)  }
0x125: {  	s25 =	spop (v2sf);
	s24 =	sadd.s32 s24, s26  }
0x126: {  	v7 =	vsub.s32 v8, v7;
	s25 =	sadd.s32 s24, s25  }
0x127: {  	v7 =	vadd.s32 s25, v7  }
0x128: {  	[tilespmem:s22+$0x0] =	vst v7  }
0x129: {  	v7 =	vld [tilespmem:s23+$0x0];
	_ =	sdelay $0x4  }
0x12a: {  	(xrf0) =	vadd.scan.msk.s32 $0xffff, v7;
	_ =	sdelay $0x1  }
0x12b: {  	v9, _, _ =	vpop (xrf0);
	(v2sf) =	vpush v8, $0xF  }
0x12c: {  	(v2sf) =	vpush v9, $0xF;
	_ =	sdelay $0x2  }
0x12d: {  	v63, _, _ =	vpop (xrf0)  }
0x12e: {  	(v2sf) =	vpush v63, $0xF;
	_ =	sdelay $0x9  }
0x12f: {  	s29 =	spop (v2sf)  }
0x130: {  	v4 =	vsub.s32 s24, v4;
	s30 =	spop (v2sf);
	s25 =	sadd.s32 s25, s29  }
0x131: {  	v4 =	vadd.s32 v5, v4;
	v5 =	vsub.s32 v63, v7;
	s24 =	sadd.s32 s25, s30  }
0x132: {  	[tilespmem:s22+$0xFFFFFFF0] =	vst v4;
	v4 =	vsub.s32 s25, v6;
	v5 =	vadd.s32 s24, v5  }
0x133: {  	s22 =	simm.s32 $0x1010;
	v4 =	vadd.s32 v9, v4;
	[tilespmem:s23+$0x0] =	vst v5  }
0x134: {  	s24 =	simm.s32 $0x2010;
	[tilespmem:s23+$0xFFFFFFF0] =	vst v4;
	s23 =	simm.s32 $0xFFFFFFFE;
	s31 =	spop (v2sf)  }
.LBB2_26:
0x135: {  	v4 =	vld [tilespmem:s22+$0xFFFFFFF0];
	_ =	sdelay $0x4  }
0x136: {  	v5 =	vshrl.u32 v4, $0xC  }
0x137: {  	v5 =	vand.u32 $0xFF0, v5  }
0x138: {  	v5 =	vor.u32 v0, v5;
	_ =	sdelay $0x4  }
0x139: {  	v6 =	vld.idx.msk [tilespmem:v5+s16+$0x0], $0xffff;
	_ =	sdelay $0x4  }
0x13a: {  	v7 =	vshll.u32 v6, $0x4  }
0x13b: {  	v8 =	vshrl.u32 v6, $0x8;
	v7 =	vand.u32 $0xFF0, v7  }
0x13c: {  	v7 =	vadd.s32 v8, v7  }
0x13d: {  	v60 =	vld [tilespmem:s24+$0xFFFFFFF0];
	_ =	sdelay $0x1  }
0x13e: {  	v6 =	vadd.s32 $0x1, v6  }
0x13f: {  	[tilespmem:v5+s16+$0x0] =	vst.idx.msk $0xffff, v6  }
0x140: {  	[tilespmem:v7+s17+$0x0] =	vst.idx.msk $0xffff, v4  }
0x141: {  	[tilespmem:v7+s18+$0x0] =	vst.idx.msk $0xffff, v60  }
0x142: {  	v4 =	vld [tilespmem:s22+$0x0];
	_ =	sdelay $0x4  }
0x143: {  	v5 =	vshrl.u32 v4, $0xC  }
0x144: {  	v5 =	vand.u32 $0xFF0, v5  }
0x145: {  	v5 =	vor.u32 v0, v5;
	_ =	sdelay $0x4  }
0x146: {  	v6 =	vld.idx.msk [tilespmem:v5+s16+$0x0], $0xffff;
	_ =	sdelay $0x4  }
0x147: {  	v61 =	vshll.u32 v6, $0x4  }
0x148: {  	v62 =	vshrl.u32 v6, $0x8;
	v7 =	vand.u32 $0xFF0, v61  }
0x149: {  	s23 =	sadd.s32 $0x2, s23;
	v7 =	vadd.s32 v62, v7  }
0x14a: {  	p0 =	slt.u32 s23, $0xFE;
	v63 =	vld [tilespmem:s24+$0x0]  }
.Ltmp12:
0x14b: {  	_ = 	snop;
	(pc) =	sbr.rel @p0 .LBB2_26-.Ltmp12, $4  }
0x14c: {  	v6 =	vadd.s32 $0x1, v6  }
0x14d: {  	[tilespmem:v5+s16+$0x0] =	vst.idx.msk $0xffff, v6  }
0x14e: {  	s26 =	simm.s32 $0xFFFFFFFC;
	[tilespmem:v7+s17+$0x0] =	vst.idx.msk $0xffff, v4  }
0x14f: {  	s25 =	simm.s32 $0x5020;
	s24 =	sadd.s32 $0x20, s24;
	s22 =	sadd.s32 $0x20, s22;
	[tilespmem:v7+s18+$0x0] =	vst.idx.msk $0xffff, v63  }
0x150: {  	[tilespmem:s25+$0xFFFFFFE0] =	vst v1  }
0x151: {  	[tilespmem:s25+$0x10] =	vst v1  }
0x152: {  	s23 =	sadd.s32 $0x4, s26;
	[tilespmem:s25+$0x0] =	vst v1  }
.LBB2_28:
0x153: {  	s23 =	sadd.s32 $0x4, s23  }
0x154: {  	[tilespmem:s25+$0xFFFFFFF0] =	vst v1;
	s25 =	sadd.s32 $0x40, s25;
	p0 =	slt.u32 s23, $0xFC  }
.Ltmp13:
0x155: {  	[tilespmem:s25+$0xFFFFFFE0] =	vst v1;
	(pc) =	sbr.rel @p0 .LBB2_28-.Ltmp13, $3  }
0x156: {  	_ =	sdelay $0x1  }
0x157: {  	[tilespmem:s25+$0x10] =	vst v1  }
0x158: {  	s22 =	simm.s32 $0x3010;
	[tilespmem:s25+$0x0] =	vst v1  }
0x159: {  	[tilespmem:s25+$0xFFFFFFF0] =	vst v1;
	s24 =	simm.s32 $0xFFFFFFFE  }
.LBB2_30:
0x15a: {  	v4 =	vld [tilespmem:s22+$0xFFFFFFF0];
	_ =	sdelay $0x4  }
0x15b: {  	v4 =	vshrl.u32 v4, $0x14  }
0x15c: {  	v4 =	vand.u32 $0xFF0, v4  }
0x15d: {  	v4 =	vor.u32 v0, v4;
	_ =	sdelay $0x4  }
0x15e: {  	[tilespmem:v4+s16+$0x0] =	vst.idx.add.s32.msk $0xffff, v2  }
0x15f: {  	v4 =	vld [tilespmem:s22+$0x0];
	_ =	sdelay $0x4  }
0x160: {  	v4 =	vshrl.u32 v4, $0x14  }
0x161: {  	s24 =	sadd.s32 $0x2, s24;
	v4 =	vand.u32 $0xFF0, v4  }
0x162: {  	p0 =	slt.u32 s24, $0xFE;
	v4 =	vor.u32 v0, v4  }
.Ltmp14:
0x163: {  	_ = 	snop;
	(pc) =	sbr.rel @p0 .LBB2_30-.Ltmp14, $2  }
0x164: {  	_ =	sdelay $0x2  }
0x165: {  	s23 =	simm.s32 $0x0;
	s25 =	simm.s32 $0x5010;
	s22 =	sadd.s32 $0x20, s22;
	[tilespmem:v4+s16+$0x0] =	vst.idx.add.s32.msk $0xffff, v2  }
0x166: {  	v5 =	vld [tilespmem:s25+$0xFFFFFFF0];
	_ =	sdelay $0x4  }
0x167: {  	(xrf0) =	vadd.scan.msk.s32 $0xffff, v5;
	_ =	sdelay $0x2  }
0x168: {  	v4 =	vld [tilespmem:s25+$0x0];
	_ =	sdelay $0x2  }
0x169: {  	v6, _, _ =	vpop (xrf0)  }
0x16a: {  	(v2sf) =	vpush v6, $0xF  }
0x16b: {  	(xrf0) =	vadd.scan.msk.s32 $0xffff, v4;
	_ =	sdelay $0x5  }
0x16c: {  	s22 =	simm.s32 $0x5030;
	v7, _, _ =	vpop (xrf0)  }
0x16d: {  	(v2sf) =	vpush v7, $0xF;
	v7 =	vsub.s32 v7, v4;
	v4 =	vld [tilespmem:s22+$0xFFFFFFF0];
	_ =	sdelay $0x4  }
0x16e: {  	(xrf0) =	vadd.scan.msk.s32 $0xffff, v4;
	_ =	sdelay $0x1  }
0x16f: {  	v5 =	vsub.s32 s23, v5;
	s24 =	spop (v2sf)  }
0x170: {  	v5 =	vadd.s32 v6, v5;
	s24 =	sadd.s32 $0x0, s24  }
0x171: {  	v7 =	vadd.s32 s24, v7  }
0x172: {  	[tilespmem:s25+$0x0] =	vst v7  }
0x173: {  	v7 =	vld [tilespmem:s22+$0x0];
	[tilespmem:s25+$0xFFFFFFF0] =	vst v5;
	v5, _, _ =	vpop (xrf0)  }
0x174: {  	(v2sf) =	vpush v5, $0xF;
	_ =	sdelay $0x2  }
0x175: {  	s23 =	simm.s32 $0x5050  }
0x176: {  	v6 =	vld [tilespmem:s23+$0xFFFFFFF0];
	_ =	sdelay $0x3  }
0x177: {  	(xrf0) =	vadd.scan.msk.s32 $0xffff, v7  }
0x178: {  	(xrf0) =	vadd.scan.msk.s32 $0xffff, v6;
	_ =	sdelay $0x4  }
0x179: {  	s26 =	spop (v2sf);
	s25 =	simm.s32 $0x4;
	v8, _, _ =	vpop (xrf0)  }
.LBB2_32:
0x17a: {  	s25 =	sadd.s32 $0x2, s25;
	v9, _, _ =	vpop (xrf0);
	s28 =	spop (v2sf);
	(v2sf) =	vpush v8, $0xF;
	s24 =	sadd.s32 s24, s26  }
0x17b: {  	v7 =	vsub.s32 v8, v7;
	p0 =	slt.u32 s25, $0xFE;
	(v2sf) =	vpush v9, $0xF;
	v10 =	vsub.s32 s24, v4;
	s24 =	sadd.s32 s24, s28;
	v4 =	vmovc v6  }
0x17c: {  	v6 =	vadd.s32 v5, v10;
	v7 =	vadd.s32 s24, v7;
	v5 =	vmov v9  }
0x17d: {  	[tilespmem:s22+$0x0] =	vst v7  }
0x17e: {  	v7 =	vld [tilespmem:s23+$0x0];
	[tilespmem:s22+$0xFFFFFFF0] =	vst v6;
	s22 =	smov.u32 s23;
	s23 =	sadd.s32 $0x20, s23  }
0x17f: {  	v6 =	vld [tilespmem:s23+$0xFFFFFFF0];
	_ =	sdelay $0x3  }
0x180: {  	(xrf0) =	vadd.scan.msk.s32 $0xffff, v7  }
0x181: {  	(xrf0) =	vadd.scan.msk.s32 $0xffff, v6  }
.Ltmp15:
0x182: {  	(pc) =	sbr.rel @p0 .LBB2_32-.Ltmp15, $2  }
0x183: {  	_ =	sdelay $0x2  }
0x184: {  	v8, _, _ =	vpop (xrf0);
	s26 =	spop (v2sf)  }
0x185: {  	s25 =	spop (v2sf);
	s24 =	sadd.s32 s24, s26  }
0x186: {  	v7 =	vsub.s32 v8, v7;
	s25 =	sadd.s32 s24, s25  }
0x187: {  	v7 =	vadd.s32 s25, v7  }
0x188: {  	[tilespmem:s22+$0x0] =	vst v7  }
0x189: {  	v7 =	vld [tilespmem:s23+$0x0];
	_ =	sdelay $0x4  }
0x18a: {  	(xrf0) =	vadd.scan.msk.s32 $0xffff, v7;
	_ =	sdelay $0x1  }
0x18b: {  	v9, _, _ =	vpop (xrf0);
	(v2sf) =	vpush v8, $0xF  }
0x18c: {  	(v2sf) =	vpush v9, $0xF;
	_ =	sdelay $0x2  }
0x18d: {  	v63, _, _ =	vpop (xrf0)  }
0x18e: {  	(v2sf) =	vpush v63, $0xF;
	_ =	sdelay $0x9  }
0x18f: {  	s31 =	spop (v2sf)  }
0x190: {  	v4 =	vsub.s32 s24, v4;
	s30 =	spop (v2sf);
	s25 =	sadd.s32 s25, s31  }
0x191: {  	v4 =	vadd.s32 v5, v4;
	v5 =	vsub.s32 v63, v7;
	s24 =	sadd.s32 s25, s30  }
0x192: {  	[tilespmem:s22+$0xFFFFFFF0] =	vst v4;
	v4 =	vsub.s32 s25, v6;
	v5 =	vadd.s32 s24, v5  }
0x193: {  	s26 =	simm.s32 $0x3010;
	s28 =	simm.s32 $0x4010;
	v4 =	vadd.s32 v9, v4;
	[tilespmem:s23+$0x0] =	vst v5  }
0x194: {  	s29 =	simm.s32 $0xFFFFFFFE;
	s25 =	simm.s32 $0xFFFFFFFE;
	[tilespmem:s23+$0xFFFFFFF0] =	vst v4;
	s31 =	spop (v2sf)  }
.LBB2_34:
0x195: {  	v4 =	vld [tilespmem:s26+$0xFFFFFFF0];
	_ =	sdelay $0x4  }
0x196: {  	v5 =	vshrl.u32 v4, $0x14  }
0x197: {  	v5 =	vand.u32 $0xFF0, v5  }
0x198: {  	v5 =	vor.u32 v0, v5;
	_ =	sdelay $0x4  }
0x199: {  	v6 =	vld.idx.msk [tilespmem:v5+s16+$0x0], $0xffff;
	_ =	sdelay $0x4  }
0x19a: {  	v7 =	vshll.u32 v6, $0x4  }
0x19b: {  	v8 =	vshrl.u32 v6, $0x8;
	v7 =	vand.u32 $0xFF0, v7  }
0x19c: {  	v7 =	vadd.s32 v8, v7  }
0x19d: {  	v60 =	vld [tilespmem:s28+$0xFFFFFFF0];
	_ =	sdelay $0x1  }
0x19e: {  	v6 =	vadd.s32 $0x1, v6  }
0x19f: {  	[tilespmem:v5+s16+$0x0] =	vst.idx.msk $0xffff, v6  }
0x1a0: {  	[tilespmem:v7+s14+$0x0] =	vst.idx.msk $0xffff, v4  }
0x1a1: {  	[tilespmem:v7+s15+$0x0] =	vst.idx.msk $0xffff, v60  }
0x1a2: {  	v4 =	vld [tilespmem:s26+$0x0];
	_ =	sdelay $0x4  }
0x1a3: {  	v5 =	vshrl.u32 v4, $0x14  }
0x1a4: {  	v5 =	vand.u32 $0xFF0, v5  }
0x1a5: {  	v5 =	vor.u32 v0, v5;
	_ =	sdelay $0x4  }
0x1a6: {  	v6 =	vld.idx.msk [tilespmem:v5+s16+$0x0], $0xffff;
	_ =	sdelay $0x4  }
0x1a7: {  	v61 =	vshll.u32 v6, $0x4  }
0x1a8: {  	v62 =	vshrl.u32 v6, $0x8;
	v7 =	vand.u32 $0xFF0, v61  }
0x1a9: {  	s29 =	sadd.s32 $0x2, s29;
	v7 =	vadd.s32 v62, v7  }
0x1aa: {  	p0 =	slt.u32 s29, $0xFE;
	v63 =	vld [tilespmem:s28+$0x0]  }
.Ltmp16:
0x1ab: {  	_ = 	snop;
	(pc) =	sbr.rel @p0 .LBB2_34-.Ltmp16, $4  }
0x1ac: {  	v6 =	vadd.s32 $0x1, v6  }
0x1ad: {  	[tilespmem:v5+s16+$0x0] =	vst.idx.msk $0xffff, v6  }
0x1ae: {  	s23 =	simm.s32 $0x8010;
	s22 =	simm.s32 $0x9010;
	[tilespmem:v7+s14+$0x0] =	vst.idx.msk $0xffff, v4  }
0x1af: {  	s24 =	simm.s32 $0x10;
	s28 =	sadd.s32 $0x20, s28;
	s26 =	sadd.s32 $0x20, s26;
	[tilespmem:v7+s15+$0x0] =	vst.idx.msk $0xffff, v63  }
0x1b0: {  	s25 =	sadd.s32 $0x2, s25  }
0x1b1: {  	s26 =	sadd.s32 $0xFFFFFFF0, s24;
	p1 =	slt.u32 s25, $0xFE  }
.Ltmp17:
0x1b2: {  	v4 =	vmov s26;
	(pc) =	sbr.rel @!p1 .LBB2_36-.Ltmp17, $4  }
0x1b3: {  	v5 =	vshll.u32 v4, $0x4  }
0x1b4: {  	v5 =	vor.u32 v3, v5  }
0x1b5: {  	v4 =	vshrl.u32 v4, $0x8;
	v5 =	vand.u32 $0xEF0, v5  }
0x1b6: {  	p0 =	por $0x0, $0x0;
	v4 =	vor.u32 v4, v5  }
0x1b7: {  	_ =	sdelay $0x3  }
0x1b8: {  	v4 =	vld.idx.msk [tilespmem:v4+s15+$0x0], $0xffff;
	_ =	sdelay $0x7  }
0x1b9: {  	v5 =	vld.idx.msk [tilespmem:v4+s12+$0x0], $0xffff;
	_ =	sdelay $0x2  }
0x1ba: {  	v6 =	vmov s24  }
0x1bb: {  	v7 =	vshll.u32 v6, $0x4  }
0x1bc: {  	[tilespmem:s23+$0xFFFFFFF0] =	vst v5;
	v5 =	vor.u32 v3, v7  }
0x1bd: {  	v6 =	vshrl.u32 v6, $0x8;
	v4 =	vld.idx.msk [tilespmem:v4+s13+$0x0], $0xffff;
	v5 =	vand.u32 $0xFF0, v5  }
0x1be: {  	v5 =	vor.u32 v6, v5;
	_ =	sdelay $0x3  }
0x1bf: {  	[tilespmem:s22+$0xFFFFFFF0] =	vst v4  }
0x1c0: {  	v4 =	vld.idx.msk [tilespmem:v5+s15+$0x0], $0xffff;
	_ =	sdelay $0x6  }
0x1c1: {  	s24 =	sadd.s32 $0x20, s24  }
0x1c2: {  	s26 =	sadd.s32 $0xFFFFFFF0, s24;
	v5 =	vld.idx.msk [tilespmem:v4+s12+$0x0], $0xffff  }
0x1c3: {  	v6 =	vmov s26;
	s26 =	sadd.s32 $0x2, s25  }
0x1c4: {  	p1 =	slt.u32 s26, $0xFE  }
.Ltmp18:
0x1c5: {  	_ = 	snop;
	(pc) =	sbr.rel @!p1 .LBB2_38-.Ltmp18, $4  }
0x1c6: {  	v7 =	vshll.u32 v6, $0x4  }
0x1c7: {  	v7 =	vor.u32 v3, v7;
	[tilespmem:s23+$0x0] =	vst v5  }
0x1c8: {  	v6 =	vshrl.u32 v6, $0x8;
	v7 =	vand.u32 $0xEF0, v7;
	v5 =	vld.idx.msk [tilespmem:v4+s13+$0x0], $0xffff  }
0x1c9: {  	p0 =	por $0x1, $0x1;
	s28 =	simm.s32 $0x8010;
	s25 =	simm.s32 $0x9010;
	v4 =	vor.u32 v6, v7  }
.LBB2_39:
0x1ca: {  	_ =	sdelay $0x2  }
0x1cb: {  	s26 =	sadd.s32 $0x2, s26;
	s28 =	sadd.s32 $0x20, s28;
	[tilespmem:s25+$0x0] =	vst v5;
	s25 =	sadd.s32 $0x20, s25  }
0x1cc: {  	p1 =	slt.u32 s26, $0xFE;
	v4 =	vld.idx.msk [tilespmem:v4+s15+$0x0], $0xffff;
	_ =	sdelay $0x7  }
0x1cd: {  	v5 =	vld.idx.msk [tilespmem:v4+s12+$0x0], $0xffff;
	_ =	sdelay $0x4  }
0x1ce: {  	v6 =	vmov s24  }
0x1cf: {  	[tilespmem:s28+$0xFFFFFFF0] =	vst v5;
	v5 =	vshll.u32 v6, $0x4  }
0x1d0: {  	v4 =	vld.idx.msk [tilespmem:v4+s13+$0x0], $0xffff;
	v5 =	vor.u32 v3, v5  }
0x1d1: {  	v6 =	vshrl.u32 v6, $0x8;
	v5 =	vand.u32 $0xFF0, v5  }
0x1d2: {  	v5 =	vor.u32 v6, v5;
	_ =	sdelay $0x3  }
0x1d3: {  	[tilespmem:s25+$0xFFFFFFF0] =	vst v4  }
0x1d4: {  	v4 =	vld.idx.msk [tilespmem:v5+s15+$0x0], $0xffff;
	_ =	sdelay $0x7  }
0x1d5: {  	v5 =	vld.idx.msk [tilespmem:v4+s12+$0x0], $0xffff;
	_ =	sdelay $0x2  }
0x1d6: {  	s24 =	sadd.s32 $0x20, s24  }
0x1d7: {  	s29 =	sadd.s32 $0xFFFFFFF0, s24  }
.Ltmp19:
0x1d8: {  	v6 =	vmov s29;
	(pc) =	sbr.rel @p1 .LBB2_39-.Ltmp19, $4  }
0x1d9: {  	v7 =	vshll.u32 v6, $0x4;
	[tilespmem:s28+$0x0] =	vst v5  }
0x1da: {  	v7 =	vor.u32 v3, v7;
	v5 =	vld.idx.msk [tilespmem:v4+s13+$0x0], $0xffff  }
0x1db: {  	v6 =	vshrl.u32 v6, $0x8;
	v4 =	vand.u32 $0xEF0, v7  }
0x1dc: {  	v4 =	vor.u32 v6, v4  }
.LBB2_40:
0x1dd: {  	_ =	sdelay $0x2  }
0x1de: {  	[tilespmem:s25+$0x0] =	vst @p0 v5  }
0x1df: {  	v4 =	vld.idx.msk [tilespmem:v4+s15+$0x0], $0xffff;
	_ =	sdelay $0x7  }
0x1e0: {  	v5 =	vld.idx.msk [tilespmem:v4+s12+$0x0], $0xffff;
	_ =	sdelay $0x2  }
0x1e1: {  	s26 =	sadd.s32 @p0 $0x20, s28;
	v6 =	vmov s24  }
0x1e2: {  	s23 =	smov.u32 @p0 s26;
	v7 =	vshll.u32 v6, $0x4  }
0x1e3: {  	[tilespmem:s23+$0xFFFFFFF0] =	vst v5;
	v5 =	vor.u32 v3, v7  }
0x1e4: {  	v6 =	vshrl.u32 v6, $0x8;
	v4 =	vld.idx.msk [tilespmem:v4+s13+$0x0], $0xffff;
	v5 =	vand.u32 $0xFF0, v5  }
0x1e5: {  	v5 =	vor.u32 v6, v5;
	_ =	sdelay $0x1  }
0x1e6: {  	s24 =	sadd.s32 @p0 $0x20, s25  }
0x1e7: {  	s22 =	smov.u32 @p0 s24  }
0x1e8: {  	[tilespmem:s22+$0xFFFFFFF0] =	vst v4  }
0x1e9: {  	v4 =	vld.idx.msk [tilespmem:v5+s15+$0x0], $0xffff;
	_ =	sdelay $0x7  }
0x1ea: {  	v5 =	vld.idx.msk [tilespmem:v4+s12+$0x0], $0xffff;
	_ =	sdelay $0x4  }
0x1eb: {  	[tilespmem:s23+$0x0] =	vst v5  }
0x1ec: {  	v4 =	vld.idx.msk [tilespmem:v4+s13+$0x0], $0xffff;
	_ =	sdelay $0x4  }
0x1ed: {  	[tilespmem:s22+$0x0] =	vst v4  }
0x1ee: {  	[hbm4b:s6+s9] =	stream.strided.scatter [tilespmem:s19], [sflag:$0x1], $0x1000, s10, s9, $0x38;
	[tilespmem:$0xA000] =	vst v63  }
0x1ef: {  	_ =	swait.ge [sflag:s11], $0x1000  }
0x1f0: {  	s21 =	sadd.s32 $0x1, s21;
	[sflag:s11] =	ssyncset.done $0x0  }
0x1f1: {  	p0 =	sne.s32 s21, s8;
	[sflag:s11] =	ssyncadd.s32 $0xFFFFF000  }
0x1f2: {  	[hbm4b:s7+s9] =	stream.strided.scatter [tilespmem:s20], [sflag:$0x1], $0x1000, s10, s9, $0x38;
	[tilespmem:$0xA000] =	vst v63  }
.Ltmp20:
0x1f3: {  	_ = 	snop;
	(pc) =	sbr.rel @p0 .LBB2_1-.Ltmp20, $4  }
.Ltmp21:
0x1f4: {  	_ = 	snop;
	(pc) =	sbr.rel @!p0 .LBB2_41-.Ltmp21, $4  }
0x1f5: {  	_ =	swait.ge [sflag:s11], $0x1000  }
0x1f6: {  	[sflag:s11] =	ssyncset.done $0x0  }
0x1f7: {  	[sflag:s11] =	ssyncadd.s32 $0xFFFFF000  }
0x1f8: {  	_ = 	snop  }
.LBB2_36:
.Ltmp22:
0x1f9: {  	(pc) =	sbr.rel .LBB2_40-.Ltmp22, $2  }
0x1fa: {  	_ =	sdelay $0x2  }
0x1fb: {  	s25 =	simm.s32 $0x9010;
	s28 =	simm.s32 $0x8010  }
.LBB2_38:
.Ltmp23:
0x1fc: {  	(pc) =	sbr.rel .LBB2_40-.Ltmp23, $2  }
0x1fd: {  	_ =	sdelay $0x2  }
0x1fe: {  	s25 =	simm.s32 $0x9010;
	s28 =	simm.s32 $0x8010  }
.LBB2_41:
0x1ff: {  	_ =	sfence.sel $0x180000  }
0x200: {  	[bflag:$0x0] =	sbarrier.arrive $0xFFFF  }
0x201: {  	p0 =	sne.s32 s1, $0x0;
	_ =	strace $0x90000047  }
0x202: {  	s0 =	sadd.s32 @!p0 $0x100000, s0;
	[bflag:$0x2] =	sbarrier.arrive $0xFFFF  }
0x203: {  	[sflag:s0] =	ssyncadd.tile.s32 @!p0 $0x1;
	_ =	shalt  }
.Lfunc_end2:
_tile_overlayer_lowered:
.L_overlay_start_2:
0x204: {  	(tag) =	ssettag $0x2  }
0x205: {  	s0 =	rddreg [dreg:$0x0];
	s2 =	stileid.u32  }
0x206: {  	s1 =	rddreg [dreg:$0x1];
	p0 =	sne.s32 s2, $0x0  }
0x207: {  	s3 =	rddreg [dreg:$0x2];
	[bflag:$0x3] =	sbarrier.arrive $0xFFFF;
	s2 =	simm.s32 @!p0 $0x1C01  }
0x208: {  	[timem:s3], [sflag:s2] =	dma.local @!p0 [hbm:s0], s1  }
0x209: {  	s0 =	simm.s32 @!p0 $0x1  }
0x20a: {  	_ =	swait.ge @!p0 [sflag:s0], s1  }
0x20b: {  	s1 =	ssub.s32 @!p0 $0x0, s1;
	[sflag:s0] =	ssyncset.done @!p0 $0x0  }
0x20c: {  	[sflag:s0] =	ssyncadd.s32 @!p0 s1  }
0x20d: {  	[bflag:$0x3] =	sbarrier.arrive $0xFFFF  }
0x20e: {  	_ =	shalt  }

</sc_bundles>
